<compile_context>
chip_gen: v7x
topology: tpu7x:2x2x1
jax: 0.10.2.dev20260603
libtpu: 0.0.44.dev20260713+nightly
codegen_flags: <defaults>
</compile_context>

<pallas_src>
import functools

import jax
import jax.numpy as jnp
from jax import lax
from jax.experimental import pallas as pl
from jax.experimental.pallas import tpu as pltpu
from jax.experimental.pallas import tpu_sc as plsc

_N = 10000
_C = 128
_E = 160000
_NS = 16
_RPT = 624
_TAIL = _N - _NS * _RPT
_CH = 128
_NCHUNK = 160
_EPT = 2 * _E // _NS
_NPAD = _NCHUNK * _CH - _EPT
_NA = _N + 8
_BM = 1000


def _mm_layer(h, wmsg, winit, resid, relu_in):
    nb = _N // _BM

    def body(*refs):
        if resid is not None:
            h_ref, wm_ref, wi_ref, r_ref, om_ref, oi_ref = refs
        else:
            h_ref, wm_ref, wi_ref, om_ref, oi_ref = refs
        x = h_ref[...]
        if relu_in:
            x = jnp.maximum(x, 0.0)
        xb = x.astype(jnp.bfloat16)
        om_ref[0] = jnp.dot(xb, wm_ref[0, 0].astype(jnp.bfloat16),
                            preferred_element_type=jnp.float32)
        om_ref[1] = jnp.dot(xb, wm_ref[0, 1].astype(jnp.bfloat16),
                            preferred_element_type=jnp.float32)
        ini = jnp.dot(xb, wi_ref[0].astype(jnp.bfloat16),
                      preferred_element_type=jnp.float32)
        if resid is not None:
            ini = ini + r_ref[...]
        oi_ref[...] = ini

    in_specs = [
        pl.BlockSpec((_BM, _C), lambda i: (i, 0)),
        pl.BlockSpec((1, 2, _C, _C), lambda i: (i // nb, 0, 0, 0)),
        pl.BlockSpec((1, _C, _C), lambda i: (i // nb, 0, 0)),
    ]
    args = [h, wmsg, winit]
    if resid is not None:
        in_specs.append(pl.BlockSpec((_BM, _C), lambda i: (i, 0)))
        args.append(resid)
    msg, init = pl.pallas_call(
        body,
        grid=(2 * nb,),
        in_specs=in_specs,
        out_specs=[pl.BlockSpec((2, _BM, _C), lambda i: (0, i, 0)),
                   pl.BlockSpec((_BM, _C), lambda i: (i, 0))],
        out_shape=[jax.ShapeDtypeStruct((2, 2 * _N, _C), jnp.float32),
                   jax.ShapeDtypeStruct((2 * _N, _C), jnp.float32)],
    )(*args)
    return msg.reshape(4 * _N, _C), init


def _relu_k(z):
    def body(z_ref, o_ref):
        o_ref[...] = jnp.maximum(z_ref[...], 0.0)

    nb = 2 * _N // _BM
    return pl.pallas_call(
        body,
        grid=(nb,),
        in_specs=[pl.BlockSpec((_BM, _C), lambda i: (i, 0))],
        out_specs=pl.BlockSpec((_BM, _C), lambda i: (i, 0)),
        out_shape=jax.ShapeDtypeStruct((2 * _N, _C), jnp.float32),
    )(z)


def _sc_scatter(tables, init, idx):
    tables, init, idx = lax.optimization_barrier((tables, init, idx))
    mesh = plsc.VectorSubcoreMesh(core_axis_name="c", subcore_axis_name="s")

    @functools.partial(
        pl.kernel,
        out_type=jax.ShapeDtypeStruct((2 * _N, _C), jnp.float32),
        mesh=mesh,
        scratch_types=[
            pltpu.VMEM((4, 2, _CH), jnp.int32),
            pltpu.VMEM((2, _CH, _C), jnp.float32),
            pltpu.VMEM_SHARED((_NA, _C), jnp.float32),
            pltpu.SemaphoreType.DMA,
            pltpu.SemaphoreType.DMA,
            pltpu.SemaphoreType.DMA,
            pltpu.SemaphoreType.DMA,
            pltpu.SemaphoreType.DMA,
            pltpu.SemaphoreType.DMA,
            pltpu.SemaphoreType.DMA,
            pltpu.SemaphoreType.DMA,
        ],
    )
    def body(tab_hbm, init_hbm, idx_hbm, out_hbm, idx_v, rows_v, acc,
             gsem0, gsem1, ssem0, ssem1, isem0, isem1, isem2, isem3):
        gsem = (gsem0, gsem1)
        ssem = (ssem0, ssem1)
        isem = (isem0, isem1, isem2, isem3)
        c = lax.axis_index("c")
        s = lax.axis_index("s")
        r0 = c * _N + s * _RPT
        pltpu.sync_copy(init_hbm.at[pl.ds(r0, _RPT), :],
                        acc.at[pl.ds(s * _RPT, _RPT), :])

        @pl.when(s == _NS - 1)
        def _():
            pltpu.sync_copy(init_hbm.at[pl.ds(c * _N + _NS * _RPT, _TAIL), :],
                            acc.at[pl.ds(_NS * _RPT, _TAIL), :])

        plsc.subcore_barrier()

        def gather_desc(q, p):
            return pltpu.make_async_copy(tab_hbm.at[idx_v.at[q, 0]],
                                         rows_v.at[p], gsem[p])

        def scatter_desc(q, p):
            return pltpu.make_async_copy(rows_v.at[p],
                                         acc.at[idx_v.at[q, 1]], ssem[p])

        def idx_desc(j, q):
            return pltpu.make_async_copy(idx_hbm.at[c, s, j],
                                         idx_v.at[q], isem[q])

        def load_idx(j, q):
            pltpu.async_copy(idx_hbm.at[c, s, j], idx_v.at[q], isem[q])

        def scatter(q, p):
            pltpu.async_copy(rows_v.at[p], acc.at[idx_v.at[q, 1]], ssem[p],
                             add=True)

        load_idx(0, 0)
        load_idx(1, 1)
        idx_desc(0, 0).wait()
        gather_desc(0, 0).start()

        def outer(g, carry):
            for b in range(4):
                j = 4 * g + b
                p = b % 2
                gather_desc(b, p).wait()
                if b == 0:
                    @pl.when(g >= 1)
                    def _():
                        scatter_desc((b + 3) % 4, 1 - p).wait()
                else:
                    scatter_desc((b + 3) % 4, 1 - p).wait()
                if b in (0, 1, 2):
                    idx_desc(j + 1, (b + 1) % 4).wait()
                    gather_desc((b + 1) % 4, 1 - p).start()
                else:
                    @pl.when(g <= 38)
                    def _():
                        idx_desc(j + 1, 0).wait()
                        gather_desc(0, 1 - p).start()
                scatter(b, p)
                if b in (0, 1):
                    load_idx(j + 2, (b + 2) % 4)
                else:
                    @pl.when(g <= 38)
                    def _():
                        load_idx(j + 2, (b + 2) % 4)
            return carry

        lax.fori_loop(0, _NCHUNK // 4, outer, 0)
        scatter_desc(3, 1).wait()
        plsc.subcore_barrier()
        pltpu.sync_copy(acc.at[pl.ds(s * _RPT, _RPT), :],
                        out_hbm.at[pl.ds(r0, _RPT), :])

        @pl.when(s == _NS - 1)
        def _():
            pltpu.sync_copy(acc.at[pl.ds(_NS * _RPT, _TAIL), :],
                            out_hbm.at[pl.ds(c * _N + _NS * _RPT, _TAIL), :])

    return body(tables, init, idx)


def _build_idx(dd, dp, pp):
    c0_src = jnp.stack([dd[0], dp[1] + _N])
    c0_dst = jnp.stack([dd[1], dp[0]])
    c1_src = jnp.stack([dp[0] + 2 * _N, pp[0] + 3 * _N])
    c1_dst = jnp.stack([dp[1], pp[1]])

    ept = _E // _NS
    pad_src = jnp.tile((jnp.arange(_NPAD, dtype=jnp.int32) * 83) % (4 * _N), (_NS, 1))
    pad_dst = jnp.full((_NS, _NPAD), _N, jnp.int32) + (
        jnp.arange(_NPAD, dtype=jnp.int32) % 8)[None, :]

    def lay(a, pad):
        a = a.reshape(2, _NS, ept).transpose(1, 0, 2).reshape(_NS, _EPT)
        a = jnp.concatenate([a, pad], axis=1)
        return a.reshape(_NS, _NCHUNK, _CH)

    def core(src2, dst2):
        return jnp.stack([lay(src2, pad_src), lay(dst2, pad_dst)], axis=2)

    return jnp.stack([core(c0_src, c0_dst), core(c1_src, c1_dst)])


def kernel(h_drug, h_prot, dd_edge_index, dp_edge_index, pp_edge_index,
           W1_ds, W1_ps, W1_dd, W1_pd, W1_dp, W1_pp,
           W2_ds, W2_ps, W2_dd, W2_pd, W2_dp, W2_pp):
    h = jnp.concatenate([h_drug, h_prot], axis=0)
    idx = _build_idx(dd_edge_index, dp_edge_index, pp_edge_index)

    wmsg1 = jnp.stack([jnp.stack([W1_dd, W1_dp]), jnp.stack([W1_pd, W1_pp])])
    winit1 = jnp.stack([W1_ds, W1_ps])
    wmsg2 = jnp.stack([jnp.stack([W2_dd, W2_dp]), jnp.stack([W2_pd, W2_pp])])
    winit2 = jnp.stack([W2_ds, W2_ps])

    t1, i1 = _mm_layer(h, wmsg1, winit1, resid=None, relu_in=False)
    z1 = _sc_scatter(t1, i1, idx)
    t2, i2 = _mm_layer(z1, wmsg2, winit2, resid=h, relu_in=True)
    z2 = _sc_scatter(t2, i2, idx)
    out = _relu_k(z2)
    return out[:_N], out[_N:]

# --- scband reference (transcript-rebuilt; emitter-appended) ---
"""Pipeline reference for scband-residual-module-25640954757916 (READ-ONLY COPY).

The authoritative reference and input builder live on the scoring server;
editing this copy changes nothing except your own understanding.
"""

import jax, jax.numpy as jnp
import numpy as np

N_DRUG = 10000
N_PROT = 10000
DC = 128
PC = 128
E = 160000

W_NAMES = ['W1_ds','W1_ps','W1_dd','W1_pd','W1_dp','W1_pp','W2_ds','W2_ps','W2_dd','W2_pd','W2_dp','W2_pp']
W_SHAPES = [(DC,DC),(PC,PC),(DC,DC),(PC,DC),(DC,PC),(PC,PC)] * 2

def setup_inputs(seed: int = 0) -> dict:
    key = jax.random.key(seed)
    ks = jax.random.split(key, 20)
    inp = {}
    inp['h_drug'] = jax.random.normal(ks[0], (N_DRUG, DC), dtype=jnp.float32)
    inp['h_prot'] = jax.random.normal(ks[1], (N_PROT, PC), dtype=jnp.float32)
    inp['dd_edge_index'] = jax.random.randint(ks[2], (2, E), 0, N_DRUG, dtype=jnp.int32)
    inp['dp_edge_index'] = jnp.stack([
        jax.random.randint(ks[3], (E,), 0, N_DRUG, dtype=jnp.int32),
        jax.random.randint(ks[4], (E,), 0, N_PROT, dtype=jnp.int32)])
    inp['pp_edge_index'] = jax.random.randint(ks[5], (2, E), 0, N_PROT, dtype=jnp.int32)
    for i, nm in enumerate(W_NAMES):
        sh = W_SHAPES[i]
        inp[nm] = jax.random.normal(ks[6 + i], sh, dtype=jnp.float32) * (sh[0] ** -0.5)
    return inp

def _conv(h_d, h_p, dd, dp, pp, Wds, Wps, Wdd, Wpd, Wdp, Wpp):
    # self transforms
    out_d = h_d @ Wds
    out_p = h_p @ Wps
    # d2d messages: transform once, gather by src, scatter-add into dst drugs
    m_dd = (h_d @ Wdd)[dd[0]]
    out_d = out_d + jax.ops.segment_sum(m_dd, dd[1], num_segments=N_DRUG)
    # p2d messages along dp edges (row0 = drug idx, row1 = prot idx)
    m_pd = (h_p @ Wpd)[dp[1]]
    out_d = out_d + jax.ops.segment_sum(m_pd, dp[0], num_segments=N_DRUG)
    # d2p messages
    m_dp = (h_d @ Wdp)[dp[0]]
    out_p = out_p + jax.ops.segment_sum(m_dp, dp[1], num_segments=N_PROT)
    # p2p messages
    m_pp = (h_p @ Wpp)[pp[0]]
    out_p = out_p + jax.ops.segment_sum(m_pp, pp[1], num_segments=N_PROT)
    return out_d, out_p

def reference(h_drug, h_prot, dd_edge_index, dp_edge_index, pp_edge_index,
              W1_ds, W1_ps, W1_dd, W1_pd, W1_dp, W1_pp,
              W2_ds, W2_ps, W2_dd, W2_pd, W2_dp, W2_pp):
    od, op = _conv(h_drug, h_prot, dd_edge_index, dp_edge_index, pp_edge_index,
                   W1_ds, W1_ps, W1_dd, W1_pd, W1_dp, W1_pp)
    od = jax.nn.relu(od)
    op = jax.nn.relu(op)
    od, op = _conv(od, op, dd_edge_index, dp_edge_index, pp_edge_index,
                   W2_ds, W2_ps, W2_dd, W2_pd, W2_dp, W2_pp)
    return (jax.nn.relu(h_drug + od), jax.nn.relu(h_prot + op))

if __name__ == "__main__":
    import jax
    _d = setup_inputs()
    print(jax.jit(kernel)(*tuple(_d.values())))

</pallas_src>

<mosaic_0001>
#map = affine_map<(d0, d1) -> (0, 0)>
#map1 = affine_map<(d0, d1) -> (0, 0, 0, 0, 0)>
module attributes {stable_mosaic.version = 14 : i64} {
  func.func @body(%arg0: i32, %arg1: i32, %arg2: memref<40000x128xf32, #tpu.memory_space<hbm>>, %arg3: memref<20000x128xf32, #tpu.memory_space<hbm>>, %arg4: memref<2x16x160x2x128xi32, #tpu.memory_space<hbm>>, %arg5: memref<20000x128xf32, #tpu.memory_space<hbm>>, %arg6: memref<4x2x128xi32, #tpu.memory_space<vmem>>, %arg7: memref<2x128x128xf32, #tpu.memory_space<vmem>>, %arg8: memref<10008x128xf32, #tpu.memory_space<vmem_shared>>, %arg9: memref<!tpu.dma_semaphore, #tpu.memory_space<semaphore_mem>>, %arg10: memref<!tpu.dma_semaphore, #tpu.memory_space<semaphore_mem>>, %arg11: memref<!tpu.dma_semaphore, #tpu.memory_space<semaphore_mem>>, %arg12: memref<!tpu.dma_semaphore, #tpu.memory_space<semaphore_mem>>, %arg13: memref<!tpu.dma_semaphore, #tpu.memory_space<semaphore_mem>>, %arg14: memref<!tpu.dma_semaphore, #tpu.memory_space<semaphore_mem>>, %arg15: memref<!tpu.dma_semaphore, #tpu.memory_space<semaphore_mem>>, %arg16: memref<!tpu.dma_semaphore, #tpu.memory_space<semaphore_mem>>) attributes {dimension_semantics = [#tpu.dimension_semantics<core_parallel>, #tpu.dimension_semantics<subcore_parallel>], iteration_bounds = array<i64: 2, 16>, scalar_prefetch = 0 : i64, scratch_operands = 11 : i64, tpu.core_type = #tpu.core_type<sc_vector_subcore>, window_params = [{transform_indices = #map}, {transform_indices = #map}, {transform_indices = #map1}, {transform_indices = #map}]} {
    %mul3A = arith.constant 10000 : i32
    %mul3A_0 = arith.muli %arg0, %mul3A : i32
    %mul3A_1 = arith.constant 624 : i32
    %mul3A_2 = arith.muli %arg1, %mul3A_1 : i32
    %add3A = arith.addi %mul3A_0, %mul3A_2 : i32
    %mul3A_3 = arith.constant 624 : i32
    %mul3A_4 = arith.muli %arg1, %mul3A_3 : i32
    "tpu.region"() ({
      %run_scoped3A = tpu.sem_alloc : memref<!tpu.dma_semaphore, #tpu.memory_space<semaphore_mem>>
      %dma_start3A_98 = arith.constant 0 : i32
      %dma_start3A_99 = tpu.memref_slice %arg8[%mul3A_4, %dma_start3A_98] : memref<10008x128xf32, #tpu.memory_space<vmem_shared>> -> memref<624x128xf32, #tpu.memory_space<vmem_shared>>
      %dma_start3A_100 = arith.constant 0 : i32
      %dma_start3A_101 = tpu.memref_slice %arg3[%add3A, %dma_start3A_100] : memref<20000x128xf32, #tpu.memory_space<hbm>> -> memref<624x128xf32, #tpu.memory_space<hbm>>
      tpu.enqueue_dma source(%dma_start3A_101 : memref<624x128xf32, #tpu.memory_space<hbm>>) target(%dma_start3A_99 : memref<624x128xf32, #tpu.memory_space<vmem_shared>>) target_semaphore(%run_scoped3A : memref<!tpu.dma_semaphore, #tpu.memory_space<semaphore_mem>>)
      %dma_wait3A_102 = arith.constant 0 : i32
      %dma_wait3A_103 = tpu.memref_slice %arg8[%mul3A_4, %dma_wait3A_102] : memref<10008x128xf32, #tpu.memory_space<vmem_shared>> -> memref<624x128xf32, #tpu.memory_space<vmem_shared>>
      %dma_wait3A_104 = arith.constant 0 : i32
      %dma_wait3A_105 = tpu.memref_slice %arg3[%add3A, %dma_wait3A_104] : memref<20000x128xf32, #tpu.memory_space<hbm>> -> memref<624x128xf32, #tpu.memory_space<hbm>>
      tpu.wait_dma2 semaphore(%run_scoped3A : memref<!tpu.dma_semaphore, #tpu.memory_space<semaphore_mem>>) src(%dma_wait3A_105 : memref<624x128xf32, #tpu.memory_space<hbm>>) dst(%dma_wait3A_103 : memref<624x128xf32, #tpu.memory_space<vmem_shared>>)
      tpu.yield
    }) : () -> ()
    %eq3A = arith.constant 15 : i32
    %eq3A_5 = arith.cmpi eq, %arg1, %eq3A : i32
    %convert_element_type3A = arith.extui %eq3A_5 : i1 to i32
    %cond3A = arith.constant 0 : i32
    %cond3A_6 = arith.cmpi ne, %convert_element_type3A, %cond3A : i32
    scf.if %cond3A_6 {
      %mul3A_98 = arith.constant 10000 : i32
      %mul3A_99 = arith.muli %arg0, %mul3A_98 : i32
      %add3A_100 = arith.constant 9984 : i32
      %add3A_101 = arith.addi %mul3A_99, %add3A_100 : i32
      "tpu.region"() ({
        %run_scoped3A = tpu.sem_alloc : memref<!tpu.dma_semaphore, #tpu.memory_space<semaphore_mem>>
        %dma_start3A_102 = arith.constant 9984 : i32
        %dma_start3A_103 = arith.constant 0 : i32
        %dma_start3A_104 = tpu.memref_slice %arg8[%dma_start3A_102, %dma_start3A_103] : memref<10008x128xf32, #tpu.memory_space<vmem_shared>> -> memref<16x128xf32, #tpu.memory_space<vmem_shared>>
        %dma_start3A_105 = arith.constant 0 : i32
        %dma_start3A_106 = tpu.memref_slice %arg3[%add3A_101, %dma_start3A_105] : memref<20000x128xf32, #tpu.memory_space<hbm>> -> memref<16x128xf32, #tpu.memory_space<hbm>>
        tpu.enqueue_dma source(%dma_start3A_106 : memref<16x128xf32, #tpu.memory_space<hbm>>) target(%dma_start3A_104 : memref<16x128xf32, #tpu.memory_space<vmem_shared>>) target_semaphore(%run_scoped3A : memref<!tpu.dma_semaphore, #tpu.memory_space<semaphore_mem>>)
        %dma_wait3A_107 = arith.constant 9984 : i32
        %dma_wait3A_108 = arith.constant 0 : i32
        %dma_wait3A_109 = tpu.memref_slice %arg8[%dma_wait3A_107, %dma_wait3A_108] : memref<10008x128xf32, #tpu.memory_space<vmem_shared>> -> memref<16x128xf32, #tpu.memory_space<vmem_shared>>
        %dma_wait3A_110 = arith.constant 0 : i32
        %dma_wait3A_111 = tpu.memref_slice %arg3[%add3A_101, %dma_wait3A_110] : memref<20000x128xf32, #tpu.memory_space<hbm>> -> memref<16x128xf32, #tpu.memory_space<hbm>>
        tpu.wait_dma2 semaphore(%run_scoped3A : memref<!tpu.dma_semaphore, #tpu.memory_space<semaphore_mem>>) src(%dma_wait3A_111 : memref<16x128xf32, #tpu.memory_space<hbm>>) dst(%dma_wait3A_109 : memref<16x128xf32, #tpu.memory_space<vmem_shared>>)
        tpu.yield
      }) : () -> ()
    } else {
    }
    %barrier3A = arith.constant 0 : index
    tpu.barrier barrier_id(%barrier3A)
    %dma_start3A = arith.constant 0 : i32
    %dma_start3A_7 = arith.constant 0 : i32
    %dma_start3A_8 = arith.constant 0 : i32
    %dma_start3A_9 = arith.constant 0 : i32
    %dma_start3A_10 = tpu.memref_slice %arg6[%dma_start3A_7, %dma_start3A_8, %dma_start3A_9] : memref<4x2x128xi32, #tpu.memory_space<vmem>> -> memref<1x2x128xi32, #tpu.memory_space<vmem>>
    %dma_start3A_11 = tpu.memref_squeeze %dma_start3A_10 : memref<1x2x128xi32, #tpu.memory_space<vmem>> -> memref<2x128xi32, #tpu.memory_space<vmem>>
    %dma_start3A_12 = arith.constant 0 : i32
    %dma_start3A_13 = arith.constant 0 : i32
    %dma_start3A_14 = tpu.memref_slice %arg4[%arg0, %arg1, %dma_start3A, %dma_start3A_12, %dma_start3A_13] : memref<2x16x160x2x128xi32, #tpu.memory_space<hbm>> -> memref<1x1x1x2x128xi32, #tpu.memory_space<hbm>>
    %dma_start3A_15 = tpu.memref_squeeze %dma_start3A_14 : memref<1x1x1x2x128xi32, #tpu.memory_space<hbm>> -> memref<2x128xi32, #tpu.memory_space<hbm>>
    %dma_start3A_16 = arith.constant 0 : i32
    %dma_start3A_17 = arith.constant 0 : i32
    %dma_start3A_18 = tpu.memref_slice %arg6[%dma_start3A_7, %dma_start3A_16, %dma_start3A_17] : memref<4x2x128xi32, #tpu.memory_space<vmem>> -> memref<1x2x128xi32, #tpu.memory_space<vmem>>
    %dma_start3A_19 = tpu.memref_squeeze %dma_start3A_18 : memref<1x2x128xi32, #tpu.memory_space<vmem>> -> memref<2x128xi32, #tpu.memory_space<vmem>>
    %dma_start3A_20 = arith.constant 0 : i32
    %dma_start3A_21 = arith.constant 0 : i32
    %dma_start3A_22 = tpu.memref_slice %arg4[%arg0, %arg1, %dma_start3A, %dma_start3A_20, %dma_start3A_21] : memref<2x16x160x2x128xi32, #tpu.memory_space<hbm>> -> memref<1x1x1x2x128xi32, #tpu.memory_space<hbm>>
    %dma_start3A_23 = tpu.memref_squeeze %dma_start3A_22 : memref<1x1x1x2x128xi32, #tpu.memory_space<hbm>> -> memref<2x128xi32, #tpu.memory_space<hbm>>
    tpu.enqueue_dma source(%dma_start3A_23 : memref<2x128xi32, #tpu.memory_space<hbm>>) target(%dma_start3A_19 : memref<2x128xi32, #tpu.memory_space<vmem>>) target_semaphore(%arg13 : memref<!tpu.dma_semaphore, #tpu.memory_space<semaphore_mem>>)
    %dma_start3A_24 = arith.constant 1 : i32
    %dma_start3A_25 = arith.constant 1 : i32
    %dma_start3A_26 = arith.constant 0 : i32
    %dma_start3A_27 = arith.constant 0 : i32
    %dma_start3A_28 = tpu.memref_slice %arg6[%dma_start3A_25, %dma_start3A_26, %dma_start3A_27] : memref<4x2x128xi32, #tpu.memory_space<vmem>> -> memref<1x2x128xi32, #tpu.memory_space<vmem>>
    %dma_start3A_29 = tpu.memref_squeeze %dma_start3A_28 : memref<1x2x128xi32, #tpu.memory_space<vmem>> -> memref<2x128xi32, #tpu.memory_space<vmem>>
    %dma_start3A_30 = arith.constant 0 : i32
    %dma_start3A_31 = arith.constant 0 : i32
    %dma_start3A_32 = tpu.memref_slice %arg4[%arg0, %arg1, %dma_start3A_24, %dma_start3A_30, %dma_start3A_31] : memref<2x16x160x2x128xi32, #tpu.memory_space<hbm>> -> memref<1x1x1x2x128xi32, #tpu.memory_space<hbm>>
    %dma_start3A_33 = tpu.memref_squeeze %dma_start3A_32 : memref<1x1x1x2x128xi32, #tpu.memory_space<hbm>> -> memref<2x128xi32, #tpu.memory_space<hbm>>
    %dma_start3A_34 = arith.constant 0 : i32
    %dma_start3A_35 = arith.constant 0 : i32
    %dma_start3A_36 = tpu.memref_slice %arg6[%dma_start3A_25, %dma_start3A_34, %dma_start3A_35] : memref<4x2x128xi32, #tpu.memory_space<vmem>> -> memref<1x2x128xi32, #tpu.memory_space<vmem>>
    %dma_start3A_37 = tpu.memref_squeeze %dma_start3A_36 : memref<1x2x128xi32, #tpu.memory_space<vmem>> -> memref<2x128xi32, #tpu.memory_space<vmem>>
    %dma_start3A_38 = arith.constant 0 : i32
    %dma_start3A_39 = arith.constant 0 : i32
    %dma_start3A_40 = tpu.memref_slice %arg4[%arg0, %arg1, %dma_start3A_24, %dma_start3A_38, %dma_start3A_39] : memref<2x16x160x2x128xi32, #tpu.memory_space<hbm>> -> memref<1x1x1x2x128xi32, #tpu.memory_space<hbm>>
    %dma_start3A_41 = tpu.memref_squeeze %dma_start3A_40 : memref<1x1x1x2x128xi32, #tpu.memory_space<hbm>> -> memref<2x128xi32, #tpu.memory_space<hbm>>
    tpu.enqueue_dma source(%dma_start3A_41 : memref<2x128xi32, #tpu.memory_space<hbm>>) target(%dma_start3A_37 : memref<2x128xi32, #tpu.memory_space<vmem>>) target_semaphore(%arg14 : memref<!tpu.dma_semaphore, #tpu.memory_space<semaphore_mem>>)
    %dma_wait3A = arith.constant 0 : i32
    %dma_wait3A_42 = arith.constant 0 : i32
    %dma_wait3A_43 = arith.constant 0 : i32
    %dma_wait3A_44 = arith.constant 0 : i32
    %dma_wait3A_45 = tpu.memref_slice %arg6[%dma_wait3A_42, %dma_wait3A_43, %dma_wait3A_44] : memref<4x2x128xi32, #tpu.memory_space<vmem>> -> memref<1x2x128xi32, #tpu.memory_space<vmem>>
    %dma_wait3A_46 = tpu.memref_squeeze %dma_wait3A_45 : memref<1x2x128xi32, #tpu.memory_space<vmem>> -> memref<2x128xi32, #tpu.memory_space<vmem>>
    %dma_wait3A_47 = arith.constant 0 : i32
    %dma_wait3A_48 = arith.constant 0 : i32
    %dma_wait3A_49 = tpu.memref_slice %arg4[%arg0, %arg1, %dma_wait3A, %dma_wait3A_47, %dma_wait3A_48] : memref<2x16x160x2x128xi32, #tpu.memory_space<hbm>> -> memref<1x1x1x2x128xi32, #tpu.memory_space<hbm>>
    %dma_wait3A_50 = tpu.memref_squeeze %dma_wait3A_49 : memref<1x1x1x2x128xi32, #tpu.memory_space<hbm>> -> memref<2x128xi32, #tpu.memory_space<hbm>>
    %dma_wait3A_51 = arith.constant 0 : i32
    %dma_wait3A_52 = arith.constant 0 : i32
    %dma_wait3A_53 = tpu.memref_slice %arg6[%dma_wait3A_42, %dma_wait3A_51, %dma_wait3A_52] : memref<4x2x128xi32, #tpu.memory_space<vmem>> -> memref<1x2x128xi32, #tpu.memory_space<vmem>>
    %dma_wait3A_54 = tpu.memref_squeeze %dma_wait3A_53 : memref<1x2x128xi32, #tpu.memory_space<vmem>> -> memref<2x128xi32, #tpu.memory_space<vmem>>
    %dma_wait3A_55 = arith.constant 0 : i32
    %dma_wait3A_56 = arith.constant 0 : i32
    %dma_wait3A_57 = tpu.memref_slice %arg4[%arg0, %arg1, %dma_wait3A, %dma_wait3A_55, %dma_wait3A_56] : memref<2x16x160x2x128xi32, #tpu.memory_space<hbm>> -> memref<1x1x1x2x128xi32, #tpu.memory_space<hbm>>
    %dma_wait3A_58 = tpu.memref_squeeze %dma_wait3A_57 : memref<1x1x1x2x128xi32, #tpu.memory_space<hbm>> -> memref<2x128xi32, #tpu.memory_space<hbm>>
    tpu.wait_dma2 semaphore(%arg13 : memref<!tpu.dma_semaphore, #tpu.memory_space<semaphore_mem>>) src(%dma_wait3A_58 : memref<2x128xi32, #tpu.memory_space<hbm>>) dst(%dma_wait3A_54 : memref<2x128xi32, #tpu.memory_space<vmem>>)
    %dma_start3A_59 = arith.constant 0 : i32
    %dma_start3A_60 = arith.constant 0 : i32
    %dma_start3A_61 = arith.constant 0 : i32
    %dma_start3A_62 = arith.constant 0 : i32
    %dma_start3A_63 = arith.constant 0 : i32
    %dma_start3A_64 = tpu.memref_slice %arg7[%dma_start3A_61, %dma_start3A_62, %dma_start3A_63] : memref<2x128x128xf32, #tpu.memory_space<vmem>> -> memref<1x128x128xf32, #tpu.memory_space<vmem>>
    %dma_start3A_65 = tpu.memref_squeeze %dma_start3A_64 : memref<1x128x128xf32, #tpu.memory_space<vmem>> -> memref<128x128xf32, #tpu.memory_space<vmem>>
    %dma_start3A_66 = arith.constant 0 : i32
    %dma_start3A_67 = tpu.memref_slice %arg6[%dma_start3A_59, %dma_start3A_60, %dma_start3A_66] : memref<4x2x128xi32, #tpu.memory_space<vmem>> -> memref<1x1x128xi32, #tpu.memory_space<vmem>>
    %dma_start3A_68 = tpu.memref_squeeze %dma_start3A_67 : memref<1x1x128xi32, #tpu.memory_space<vmem>> -> memref<128xi32, #tpu.memory_space<vmem>>
    %dma_start3A_69 = arith.constant 0 : i32
    %dma_start3A_70 = arith.constant 0 : i32
    %dma_start3A_71 = tpu.memref_slice %arg2[%dma_start3A_69, %dma_start3A_70] : memref<40000x128xf32, #tpu.memory_space<hbm>> -> memref<40000x128xf32, #tpu.memory_space<hbm>>
    tpu.enqueue_indirect_dma source(%dma_start3A_71 : memref<40000x128xf32, #tpu.memory_space<hbm>>) target(%dma_start3A_65 : memref<128x128xf32, #tpu.memory_space<vmem>>) offsets(%dma_start3A_68 : memref<128xi32, #tpu.memory_space<vmem>>) semaphore(%arg9 : memref<!tpu.dma_semaphore, #tpu.memory_space<semaphore_mem>>)
    %scan3A = arith.constant 0 : i32
    %scan3A_72 = arith.constant 0 : i32
    %scan3A_73 = arith.constant 40 : i32
    %scan3A_74 = arith.addi %scan3A_72, %scan3A_73 : i32
    %scan3A_75 = arith.constant 1 : i32
    scf.for %scan3A_98 = %scan3A_72 to %scan3A_74 step %scan3A_75  : i32 {
      %mul3A_99 = arith.constant 4 : i32
      %mul3A_100 = arith.muli %mul3A_99, %scan3A_98 : i32
      %add3A_101 = arith.constant 0 : i32
      %add3A_102 = arith.addi %mul3A_100, %add3A_101 : i32
      %dma_wait3A_103 = arith.constant 0 : i32
      %dma_wait3A_104 = arith.constant 0 : i32
      %dma_wait3A_105 = arith.constant 0 : i32
      %dma_wait3A_106 = arith.constant 0 : i32
      %dma_wait3A_107 = arith.constant 0 : i32
      %dma_wait3A_108 = tpu.memref_slice %arg7[%dma_wait3A_105, %dma_wait3A_106, %dma_wait3A_107] : memref<2x128x128xf32, #tpu.memory_space<vmem>> -> memref<1x128x128xf32, #tpu.memory_space<vmem>>
      %dma_wait3A_109 = tpu.memref_squeeze %dma_wait3A_108 : memref<1x128x128xf32, #tpu.memory_space<vmem>> -> memref<128x128xf32, #tpu.memory_space<vmem>>
      %dma_wait3A_110 = arith.constant 0 : i32
      %dma_wait3A_111 = tpu.memref_slice %arg6[%dma_wait3A_103, %dma_wait3A_104, %dma_wait3A_110] : memref<4x2x128xi32, #tpu.memory_space<vmem>> -> memref<1x1x128xi32, #tpu.memory_space<vmem>>
      %dma_wait3A_112 = tpu.memref_squeeze %dma_wait3A_111 : memref<1x1x128xi32, #tpu.memory_space<vmem>> -> memref<128xi32, #tpu.memory_space<vmem>>
      %dma_wait3A_113 = arith.constant 0 : i32
      %dma_wait3A_114 = arith.constant 0 : i32
      %dma_wait3A_115 = tpu.memref_slice %arg2[%dma_wait3A_113, %dma_wait3A_114] : memref<40000x128xf32, #tpu.memory_space<hbm>> -> memref<40000x128xf32, #tpu.memory_space<hbm>>
      tpu.wait_indirect_dma semaphore(%arg9 : memref<!tpu.dma_semaphore, #tpu.memory_space<semaphore_mem>>) src(%dma_wait3A_115 : memref<40000x128xf32, #tpu.memory_space<hbm>>) dst(%dma_wait3A_109 : memref<128x128xf32, #tpu.memory_space<vmem>>)
      %ge3A = arith.constant 1 : i32
      %ge3A_116 = arith.cmpi sge, %scan3A_98, %ge3A : i32
      %convert_element_type3A_117 = arith.extui %ge3A_116 : i1 to i32
      %cond3A_118 = arith.constant 0 : i32
      %cond3A_119 = arith.cmpi ne, %convert_element_type3A_117, %cond3A_118 : i32
      scf.if %cond3A_119 {
        %dma_wait3A_410 = arith.constant 1 : i32
        %dma_wait3A_411 = arith.constant 3 : i32
        %dma_wait3A_412 = arith.constant 1 : i32
        %dma_wait3A_413 = arith.constant 0 : i32
        %dma_wait3A_414 = arith.constant 0 : i32
        %dma_wait3A_415 = tpu.memref_slice %arg7[%dma_wait3A_410, %dma_wait3A_413, %dma_wait3A_414] : memref<2x128x128xf32, #tpu.memory_space<vmem>> -> memref<1x128x128xf32, #tpu.memory_space<vmem>>
        %dma_wait3A_416 = tpu.memref_squeeze %dma_wait3A_415 : memref<1x128x128xf32, #tpu.memory_space<vmem>> -> memref<128x128xf32, #tpu.memory_space<vmem>>
        %dma_wait3A_417 = arith.constant 0 : i32
        %dma_wait3A_418 = tpu.memref_slice %arg6[%dma_wait3A_411, %dma_wait3A_412, %dma_wait3A_417] : memref<4x2x128xi32, #tpu.memory_space<vmem>> -> memref<1x1x128xi32, #tpu.memory_space<vmem>>
        %dma_wait3A_419 = tpu.memref_squeeze %dma_wait3A_418 : memref<1x1x128xi32, #tpu.memory_space<vmem>> -> memref<128xi32, #tpu.memory_space<vmem>>
        %dma_wait3A_420 = arith.constant 0 : i32
        %dma_wait3A_421 = arith.constant 0 : i32
        %dma_wait3A_422 = tpu.memref_slice %arg8[%dma_wait3A_420, %dma_wait3A_421] : memref<10008x128xf32, #tpu.memory_space<vmem_shared>> -> memref<10008x128xf32, #tpu.memory_space<vmem_shared>>
        tpu.wait_indirect_dma semaphore(%arg12 : memref<!tpu.dma_semaphore, #tpu.memory_space<semaphore_mem>>) src(%dma_wait3A_416 : memref<128x128xf32, #tpu.memory_space<vmem>>) dst(%dma_wait3A_422 : memref<10008x128xf32, #tpu.memory_space<vmem_shared>>)
      } else {
      }
      %add3A_120 = arith.constant 1 : i32
      %add3A_121 = arith.addi %add3A_102, %add3A_120 : i32
      %dma_wait3A_122 = arith.constant 1 : i32
      %dma_wait3A_123 = arith.constant 0 : i32
      %dma_wait3A_124 = arith.constant 0 : i32
      %dma_wait3A_125 = tpu.memref_slice %arg6[%dma_wait3A_122, %dma_wait3A_123, %dma_wait3A_124] : memref<4x2x128xi32, #tpu.memory_space<vmem>> -> memref<1x2x128xi32, #tpu.memory_space<vmem>>
      %dma_wait3A_126 = tpu.memref_squeeze %dma_wait3A_125 : memref<1x2x128xi32, #tpu.memory_space<vmem>> -> memref<2x128xi32, #tpu.memory_space<vmem>>
      %dma_wait3A_127 = arith.constant 0 : i32
      %dma_wait3A_128 = arith.constant 0 : i32
      %dma_wait3A_129 = tpu.memref_slice %arg4[%arg0, %arg1, %add3A_121, %dma_wait3A_127, %dma_wait3A_128] : memref<2x16x160x2x128xi32, #tpu.memory_space<hbm>> -> memref<1x1x1x2x128xi32, #tpu.memory_space<hbm>>
      %dma_wait3A_130 = tpu.memref_squeeze %dma_wait3A_129 : memref<1x1x1x2x128xi32, #tpu.memory_space<hbm>> -> memref<2x128xi32, #tpu.memory_space<hbm>>
      %dma_wait3A_131 = arith.constant 0 : i32
      %dma_wait3A_132 = arith.constant 0 : i32
      %dma_wait3A_133 = tpu.memref_slice %arg6[%dma_wait3A_122, %dma_wait3A_131, %dma_wait3A_132] : memref<4x2x128xi32, #tpu.memory_space<vmem>> -> memref<1x2x128xi32, #tpu.memory_space<vmem>>
      %dma_wait3A_134 = tpu.memref_squeeze %dma_wait3A_133 : memref<1x2x128xi32, #tpu.memory_space<vmem>> -> memref<2x128xi32, #tpu.memory_space<vmem>>
      %dma_wait3A_135 = arith.constant 0 : i32
      %dma_wait3A_136 = arith.constant 0 : i32
      %dma_wait3A_137 = tpu.memref_slice %arg4[%arg0, %arg1, %add3A_121, %dma_wait3A_135, %dma_wait3A_136] : memref<2x16x160x2x128xi32, #tpu.memory_space<hbm>> -> memref<1x1x1x2x128xi32, #tpu.memory_space<hbm>>
      %dma_wait3A_138 = tpu.memref_squeeze %dma_wait3A_137 : memref<1x1x1x2x128xi32, #tpu.memory_space<hbm>> -> memref<2x128xi32, #tpu.memory_space<hbm>>
      tpu.wait_dma2 semaphore(%arg14 : memref<!tpu.dma_semaphore, #tpu.memory_space<semaphore_mem>>) src(%dma_wait3A_138 : memref<2x128xi32, #tpu.memory_space<hbm>>) dst(%dma_wait3A_134 : memref<2x128xi32, #tpu.memory_space<vmem>>)
      %dma_start3A_139 = arith.constant 1 : i32
      %dma_start3A_140 = arith.constant 0 : i32
      %dma_start3A_141 = arith.constant 1 : i32
      %dma_start3A_142 = arith.constant 0 : i32
      %dma_start3A_143 = arith.constant 0 : i32
      %dma_start3A_144 = tpu.memref_slice %arg7[%dma_start3A_141, %dma_start3A_142, %dma_start3A_143] : memref<2x128x128xf32, #tpu.memory_space<vmem>> -> memref<1x128x128xf32, #tpu.memory_space<vmem>>
      %dma_start3A_145 = tpu.memref_squeeze %dma_start3A_144 : memref<1x128x128xf32, #tpu.memory_space<vmem>> -> memref<128x128xf32, #tpu.memory_space<vmem>>
      %dma_start3A_146 = arith.constant 0 : i32
      %dma_start3A_147 = tpu.memref_slice %arg6[%dma_start3A_139, %dma_start3A_140, %dma_start3A_146] : memref<4x2x128xi32, #tpu.memory_space<vmem>> -> memref<1x1x128xi32, #tpu.memory_space<vmem>>
      %dma_start3A_148 = tpu.memref_squeeze %dma_start3A_147 : memref<1x1x128xi32, #tpu.memory_space<vmem>> -> memref<128xi32, #tpu.memory_space<vmem>>
      %dma_start3A_149 = arith.constant 0 : i32
      %dma_start3A_150 = arith.constant 0 : i32
      %dma_start3A_151 = tpu.memref_slice %arg2[%dma_start3A_149, %dma_start3A_150] : memref<40000x128xf32, #tpu.memory_space<hbm>> -> memref<40000x128xf32, #tpu.memory_space<hbm>>
      tpu.enqueue_indirect_dma source(%dma_start3A_151 : memref<40000x128xf32, #tpu.memory_space<hbm>>) target(%dma_start3A_145 : memref<128x128xf32, #tpu.memory_space<vmem>>) offsets(%dma_start3A_148 : memref<128xi32, #tpu.memory_space<vmem>>) semaphore(%arg10 : memref<!tpu.dma_semaphore, #tpu.memory_space<semaphore_mem>>)
      %dma_start3A_152 = arith.constant 0 : i32
      %dma_start3A_153 = arith.constant 0 : i32
      %dma_start3A_154 = arith.constant 1 : i32
      %dma_start3A_155 = arith.constant 0 : i32
      %dma_start3A_156 = arith.constant 0 : i32
      %dma_start3A_157 = tpu.memref_slice %arg7[%dma_start3A_152, %dma_start3A_155, %dma_start3A_156] : memref<2x128x128xf32, #tpu.memory_space<vmem>> -> memref<1x128x128xf32, #tpu.memory_space<vmem>>
      %dma_start3A_158 = tpu.memref_squeeze %dma_start3A_157 : memref<1x128x128xf32, #tpu.memory_space<vmem>> -> memref<128x128xf32, #tpu.memory_space<vmem>>
      %dma_start3A_159 = arith.constant 0 : i32
      %dma_start3A_160 = tpu.memref_slice %arg6[%dma_start3A_153, %dma_start3A_154, %dma_start3A_159] : memref<4x2x128xi32, #tpu.memory_space<vmem>> -> memref<1x1x128xi32, #tpu.memory_space<vmem>>
      %dma_start3A_161 = tpu.memref_squeeze %dma_start3A_160 : memref<1x1x128xi32, #tpu.memory_space<vmem>> -> memref<128xi32, #tpu.memory_space<vmem>>
      %dma_start3A_162 = arith.constant 0 : i32
      %dma_start3A_163 = arith.constant 0 : i32
      %dma_start3A_164 = tpu.memref_slice %arg8[%dma_start3A_162, %dma_start3A_163] : memref<10008x128xf32, #tpu.memory_space<vmem_shared>> -> memref<10008x128xf32, #tpu.memory_space<vmem_shared>>
      tpu.enqueue_indirect_dma source(%dma_start3A_158 : memref<128x128xf32, #tpu.memory_space<vmem>>) target(%dma_start3A_164 : memref<10008x128xf32, #tpu.memory_space<vmem_shared>>) offsets(%dma_start3A_161 : memref<128xi32, #tpu.memory_space<vmem>>) semaphore(%arg11 : memref<!tpu.dma_semaphore, #tpu.memory_space<semaphore_mem>>) {add = true}
      %add3A_165 = arith.constant 2 : i32
      %add3A_166 = arith.addi %add3A_102, %add3A_165 : i32
      %dma_start3A_167 = arith.constant 2 : i32
      %dma_start3A_168 = arith.constant 0 : i32
      %dma_start3A_169 = arith.constant 0 : i32
      %dma_start3A_170 = tpu.memref_slice %arg6[%dma_start3A_167, %dma_start3A_168, %dma_start3A_169] : memref<4x2x128xi32, #tpu.memory_space<vmem>> -> memref<1x2x128xi32, #tpu.memory_space<vmem>>
      %dma_start3A_171 = tpu.memref_squeeze %dma_start3A_170 : memref<1x2x128xi32, #tpu.memory_space<vmem>> -> memref<2x128xi32, #tpu.memory_space<vmem>>
      %dma_start3A_172 = arith.constant 0 : i32
      %dma_start3A_173 = arith.constant 0 : i32
      %dma_start3A_174 = tpu.memref_slice %arg4[%arg0, %arg1, %add3A_166, %dma_start3A_172, %dma_start3A_173] : memref<2x16x160x2x128xi32, #tpu.memory_space<hbm>> -> memref<1x1x1x2x128xi32, #tpu.memory_space<hbm>>
      %dma_start3A_175 = tpu.memref_squeeze %dma_start3A_174 : memref<1x1x1x2x128xi32, #tpu.memory_space<hbm>> -> memref<2x128xi32, #tpu.memory_space<hbm>>
      %dma_start3A_176 = arith.constant 0 : i32
      %dma_start3A_177 = arith.constant 0 : i32
      %dma_start3A_178 = tpu.memref_slice %arg6[%dma_start3A_167, %dma_start3A_176, %dma_start3A_177] : memref<4x2x128xi32, #tpu.memory_space<vmem>> -> memref<1x2x128xi32, #tpu.memory_space<vmem>>
      %dma_start3A_179 = tpu.memref_squeeze %dma_start3A_178 : memref<1x2x128xi32, #tpu.memory_space<vmem>> -> memref<2x128xi32, #tpu.memory_space<vmem>>
      %dma_start3A_180 = arith.constant 0 : i32
      %dma_start3A_181 = arith.constant 0 : i32
      %dma_start3A_182 = tpu.memref_slice %arg4[%arg0, %arg1, %add3A_166, %dma_start3A_180, %dma_start3A_181] : memref<2x16x160x2x128xi32, #tpu.memory_space<hbm>> -> memref<1x1x1x2x128xi32, #tpu.memory_space<hbm>>
      %dma_start3A_183 = tpu.memref_squeeze %dma_start3A_182 : memref<1x1x1x2x128xi32, #tpu.memory_space<hbm>> -> memref<2x128xi32, #tpu.memory_space<hbm>>
      tpu.enqueue_dma source(%dma_start3A_183 : memref<2x128xi32, #tpu.memory_space<hbm>>) target(%dma_start3A_179 : memref<2x128xi32, #tpu.memory_space<vmem>>) target_semaphore(%arg15 : memref<!tpu.dma_semaphore, #tpu.memory_space<semaphore_mem>>)
      %mul3A_184 = arith.constant 4 : i32
      %mul3A_185 = arith.muli %mul3A_184, %scan3A_98 : i32
      %add3A_186 = arith.constant 1 : i32
      %add3A_187 = arith.addi %mul3A_185, %add3A_186 : i32
      %dma_wait3A_188 = arith.constant 1 : i32
      %dma_wait3A_189 = arith.constant 0 : i32
      %dma_wait3A_190 = arith.constant 1 : i32
      %dma_wait3A_191 = arith.constant 0 : i32
      %dma_wait3A_192 = arith.constant 0 : i32
      %dma_wait3A_193 = tpu.memref_slice %arg7[%dma_wait3A_190, %dma_wait3A_191, %dma_wait3A_192] : memref<2x128x128xf32, #tpu.memory_space<vmem>> -> memref<1x128x128xf32, #tpu.memory_space<vmem>>
      %dma_wait3A_194 = tpu.memref_squeeze %dma_wait3A_193 : memref<1x128x128xf32, #tpu.memory_space<vmem>> -> memref<128x128xf32, #tpu.memory_space<vmem>>
      %dma_wait3A_195 = arith.constant 0 : i32
      %dma_wait3A_196 = tpu.memref_slice %arg6[%dma_wait3A_188, %dma_wait3A_189, %dma_wait3A_195] : memref<4x2x128xi32, #tpu.memory_space<vmem>> -> memref<1x1x128xi32, #tpu.memory_space<vmem>>
      %dma_wait3A_197 = tpu.memref_squeeze %dma_wait3A_196 : memref<1x1x128xi32, #tpu.memory_space<vmem>> -> memref<128xi32, #tpu.memory_space<vmem>>
      %dma_wait3A_198 = arith.constant 0 : i32
      %dma_wait3A_199 = arith.constant 0 : i32
      %dma_wait3A_200 = tpu.memref_slice %arg2[%dma_wait3A_198, %dma_wait3A_199] : memref<40000x128xf32, #tpu.memory_space<hbm>> -> memref<40000x128xf32, #tpu.memory_space<hbm>>
      tpu.wait_indirect_dma semaphore(%arg10 : memref<!tpu.dma_semaphore, #tpu.memory_space<semaphore_mem>>) src(%dma_wait3A_200 : memref<40000x128xf32, #tpu.memory_space<hbm>>) dst(%dma_wait3A_194 : memref<128x128xf32, #tpu.memory_space<vmem>>)
      %dma_wait3A_201 = arith.constant 0 : i32
      %dma_wait3A_202 = arith.constant 0 : i32
      %dma_wait3A_203 = arith.constant 1 : i32
      %dma_wait3A_204 = arith.constant 0 : i32
      %dma_wait3A_205 = arith.constant 0 : i32
      %dma_wait3A_206 = tpu.memref_slice %arg7[%dma_wait3A_201, %dma_wait3A_204, %dma_wait3A_205] : memref<2x128x128xf32, #tpu.memory_space<vmem>> -> memref<1x128x128xf32, #tpu.memory_space<vmem>>
      %dma_wait3A_207 = tpu.memref_squeeze %dma_wait3A_206 : memref<1x128x128xf32, #tpu.memory_space<vmem>> -> memref<128x128xf32, #tpu.memory_space<vmem>>
      %dma_wait3A_208 = arith.constant 0 : i32
      %dma_wait3A_209 = tpu.memref_slice %arg6[%dma_wait3A_202, %dma_wait3A_203, %dma_wait3A_208] : memref<4x2x128xi32, #tpu.memory_space<vmem>> -> memref<1x1x128xi32, #tpu.memory_space<vmem>>
      %dma_wait3A_210 = tpu.memref_squeeze %dma_wait3A_209 : memref<1x1x128xi32, #tpu.memory_space<vmem>> -> memref<128xi32, #tpu.memory_space<vmem>>
      %dma_wait3A_211 = arith.constant 0 : i32
      %dma_wait3A_212 = arith.constant 0 : i32
      %dma_wait3A_213 = tpu.memref_slice %arg8[%dma_wait3A_211, %dma_wait3A_212] : memref<10008x128xf32, #tpu.memory_space<vmem_shared>> -> memref<10008x128xf32, #tpu.memory_space<vmem_shared>>
      tpu.wait_indirect_dma semaphore(%arg11 : memref<!tpu.dma_semaphore, #tpu.memory_space<semaphore_mem>>) src(%dma_wait3A_207 : memref<128x128xf32, #tpu.memory_space<vmem>>) dst(%dma_wait3A_213 : memref<10008x128xf32, #tpu.memory_space<vmem_shared>>)
      %add3A_214 = arith.constant 1 : i32
      %add3A_215 = arith.addi %add3A_187, %add3A_214 : i32
      %dma_wait3A_216 = arith.constant 2 : i32
      %dma_wait3A_217 = arith.constant 0 : i32
      %dma_wait3A_218 = arith.constant 0 : i32
      %dma_wait3A_219 = tpu.memref_slice %arg6[%dma_wait3A_216, %dma_wait3A_217, %dma_wait3A_218] : memref<4x2x128xi32, #tpu.memory_space<vmem>> -> memref<1x2x128xi32, #tpu.memory_space<vmem>>
      %dma_wait3A_220 = tpu.memref_squeeze %dma_wait3A_219 : memref<1x2x128xi32, #tpu.memory_space<vmem>> -> memref<2x128xi32, #tpu.memory_space<vmem>>
      %dma_wait3A_221 = arith.constant 0 : i32
      %dma_wait3A_222 = arith.constant 0 : i32
      %dma_wait3A_223 = tpu.memref_slice %arg4[%arg0, %arg1, %add3A_215, %dma_wait3A_221, %dma_wait3A_222] : memref<2x16x160x2x128xi32, #tpu.memory_space<hbm>> -> memref<1x1x1x2x128xi32, #tpu.memory_space<hbm>>
      %dma_wait3A_224 = tpu.memref_squeeze %dma_wait3A_223 : memref<1x1x1x2x128xi32, #tpu.memory_space<hbm>> -> memref<2x128xi32, #tpu.memory_space<hbm>>
      %dma_wait3A_225 = arith.constant 0 : i32
      %dma_wait3A_226 = arith.constant 0 : i32
      %dma_wait3A_227 = tpu.memref_slice %arg6[%dma_wait3A_216, %dma_wait3A_225, %dma_wait3A_226] : memref<4x2x128xi32, #tpu.memory_space<vmem>> -> memref<1x2x128xi32, #tpu.memory_space<vmem>>
      %dma_wait3A_228 = tpu.memref_squeeze %dma_wait3A_227 : memref<1x2x128xi32, #tpu.memory_space<vmem>> -> memref<2x128xi32, #tpu.memory_space<vmem>>
      %dma_wait3A_229 = arith.constant 0 : i32
      %dma_wait3A_230 = arith.constant 0 : i32
      %dma_wait3A_231 = tpu.memref_slice %arg4[%arg0, %arg1, %add3A_215, %dma_wait3A_229, %dma_wait3A_230] : memref<2x16x160x2x128xi32, #tpu.memory_space<hbm>> -> memref<1x1x1x2x128xi32, #tpu.memory_space<hbm>>
      %dma_wait3A_232 = tpu.memref_squeeze %dma_wait3A_231 : memref<1x1x1x2x128xi32, #tpu.memory_space<hbm>> -> memref<2x128xi32, #tpu.memory_space<hbm>>
      tpu.wait_dma2 semaphore(%arg15 : memref<!tpu.dma_semaphore, #tpu.memory_space<semaphore_mem>>) src(%dma_wait3A_232 : memref<2x128xi32, #tpu.memory_space<hbm>>) dst(%dma_wait3A_228 : memref<2x128xi32, #tpu.memory_space<vmem>>)
      %dma_start3A_233 = arith.constant 2 : i32
      %dma_start3A_234 = arith.constant 0 : i32
      %dma_start3A_235 = arith.constant 0 : i32
      %dma_start3A_236 = arith.constant 0 : i32
      %dma_start3A_237 = arith.constant 0 : i32
      %dma_start3A_238 = tpu.memref_slice %arg7[%dma_start3A_235, %dma_start3A_236, %dma_start3A_237] : memref<2x128x128xf32, #tpu.memory_space<vmem>> -> memref<1x128x128xf32, #tpu.memory_space<vmem>>
      %dma_start3A_239 = tpu.memref_squeeze %dma_start3A_238 : memref<1x128x128xf32, #tpu.memory_space<vmem>> -> memref<128x128xf32, #tpu.memory_space<vmem>>
      %dma_start3A_240 = arith.constant 0 : i32
      %dma_start3A_241 = tpu.memref_slice %arg6[%dma_start3A_233, %dma_start3A_234, %dma_start3A_240] : memref<4x2x128xi32, #tpu.memory_space<vmem>> -> memref<1x1x128xi32, #tpu.memory_space<vmem>>
      %dma_start3A_242 = tpu.memref_squeeze %dma_start3A_241 : memref<1x1x128xi32, #tpu.memory_space<vmem>> -> memref<128xi32, #tpu.memory_space<vmem>>
      %dma_start3A_243 = arith.constant 0 : i32
      %dma_start3A_244 = arith.constant 0 : i32
      %dma_start3A_245 = tpu.memref_slice %arg2[%dma_start3A_243, %dma_start3A_244] : memref<40000x128xf32, #tpu.memory_space<hbm>> -> memref<40000x128xf32, #tpu.memory_space<hbm>>
      tpu.enqueue_indirect_dma source(%dma_start3A_245 : memref<40000x128xf32, #tpu.memory_space<hbm>>) target(%dma_start3A_239 : memref<128x128xf32, #tpu.memory_space<vmem>>) offsets(%dma_start3A_242 : memref<128xi32, #tpu.memory_space<vmem>>) semaphore(%arg9 : memref<!tpu.dma_semaphore, #tpu.memory_space<semaphore_mem>>)
      %dma_start3A_246 = arith.constant 1 : i32
      %dma_start3A_247 = arith.constant 1 : i32
      %dma_start3A_248 = arith.constant 1 : i32
      %dma_start3A_249 = arith.constant 0 : i32
      %dma_start3A_250 = arith.constant 0 : i32
      %dma_start3A_251 = tpu.memref_slice %arg7[%dma_start3A_246, %dma_start3A_249, %dma_start3A_250] : memref<2x128x128xf32, #tpu.memory_space<vmem>> -> memref<1x128x128xf32, #tpu.memory_space<vmem>>
      %dma_start3A_252 = tpu.memref_squeeze %dma_start3A_251 : memref<1x128x128xf32, #tpu.memory_space<vmem>> -> memref<128x128xf32, #tpu.memory_space<vmem>>
      %dma_start3A_253 = arith.constant 0 : i32
      %dma_start3A_254 = tpu.memref_slice %arg6[%dma_start3A_247, %dma_start3A_248, %dma_start3A_253] : memref<4x2x128xi32, #tpu.memory_space<vmem>> -> memref<1x1x128xi32, #tpu.memory_space<vmem>>
      %dma_start3A_255 = tpu.memref_squeeze %dma_start3A_254 : memref<1x1x128xi32, #tpu.memory_space<vmem>> -> memref<128xi32, #tpu.memory_space<vmem>>
      %dma_start3A_256 = arith.constant 0 : i32
      %dma_start3A_257 = arith.constant 0 : i32
      %dma_start3A_258 = tpu.memref_slice %arg8[%dma_start3A_256, %dma_start3A_257] : memref<10008x128xf32, #tpu.memory_space<vmem_shared>> -> memref<10008x128xf32, #tpu.memory_space<vmem_shared>>
      tpu.enqueue_indirect_dma source(%dma_start3A_252 : memref<128x128xf32, #tpu.memory_space<vmem>>) target(%dma_start3A_258 : memref<10008x128xf32, #tpu.memory_space<vmem_shared>>) offsets(%dma_start3A_255 : memref<128xi32, #tpu.memory_space<vmem>>) semaphore(%arg12 : memref<!tpu.dma_semaphore, #tpu.memory_space<semaphore_mem>>) {add = true}
      %add3A_259 = arith.constant 2 : i32
      %add3A_260 = arith.addi %add3A_187, %add3A_259 : i32
      %dma_start3A_261 = arith.constant 3 : i32
      %dma_start3A_262 = arith.constant 0 : i32
      %dma_start3A_263 = arith.constant 0 : i32
      %dma_start3A_264 = tpu.memref_slice %arg6[%dma_start3A_261, %dma_start3A_262, %dma_start3A_263] : memref<4x2x128xi32, #tpu.memory_space<vmem>> -> memref<1x2x128xi32, #tpu.memory_space<vmem>>
      %dma_start3A_265 = tpu.memref_squeeze %dma_start3A_264 : memref<1x2x128xi32, #tpu.memory_space<vmem>> -> memref<2x128xi32, #tpu.memory_space<vmem>>
      %dma_start3A_266 = arith.constant 0 : i32
      %dma_start3A_267 = arith.constant 0 : i32
      %dma_start3A_268 = tpu.memref_slice %arg4[%arg0, %arg1, %add3A_260, %dma_start3A_266, %dma_start3A_267] : memref<2x16x160x2x128xi32, #tpu.memory_space<hbm>> -> memref<1x1x1x2x128xi32, #tpu.memory_space<hbm>>
      %dma_start3A_269 = tpu.memref_squeeze %dma_start3A_268 : memref<1x1x1x2x128xi32, #tpu.memory_space<hbm>> -> memref<2x128xi32, #tpu.memory_space<hbm>>
      %dma_start3A_270 = arith.constant 0 : i32
      %dma_start3A_271 = arith.constant 0 : i32
      %dma_start3A_272 = tpu.memref_slice %arg6[%dma_start3A_261, %dma_start3A_270, %dma_start3A_271] : memref<4x2x128xi32, #tpu.memory_space<vmem>> -> memref<1x2x128xi32, #tpu.memory_space<vmem>>
      %dma_start3A_273 = tpu.memref_squeeze %dma_start3A_272 : memref<1x2x128xi32, #tpu.memory_space<vmem>> -> memref<2x128xi32, #tpu.memory_space<vmem>>
      %dma_start3A_274 = arith.constant 0 : i32
      %dma_start3A_275 = arith.constant 0 : i32
      %dma_start3A_276 = tpu.memref_slice %arg4[%arg0, %arg1, %add3A_260, %dma_start3A_274, %dma_start3A_275] : memref<2x16x160x2x128xi32, #tpu.memory_space<hbm>> -> memref<1x1x1x2x128xi32, #tpu.memory_space<hbm>>
      %dma_start3A_277 = tpu.memref_squeeze %dma_start3A_276 : memref<1x1x1x2x128xi32, #tpu.memory_space<hbm>> -> memref<2x128xi32, #tpu.memory_space<hbm>>
      tpu.enqueue_dma source(%dma_start3A_277 : memref<2x128xi32, #tpu.memory_space<hbm>>) target(%dma_start3A_273 : memref<2x128xi32, #tpu.memory_space<vmem>>) target_semaphore(%arg16 : memref<!tpu.dma_semaphore, #tpu.memory_space<semaphore_mem>>)
      %mul3A_278 = arith.constant 4 : i32
      %mul3A_279 = arith.muli %mul3A_278, %scan3A_98 : i32
      %add3A_280 = arith.constant 2 : i32
      %add3A_281 = arith.addi %mul3A_279, %add3A_280 : i32
      %dma_wait3A_282 = arith.constant 2 : i32
      %dma_wait3A_283 = arith.constant 0 : i32
      %dma_wait3A_284 = arith.constant 0 : i32
      %dma_wait3A_285 = arith.constant 0 : i32
      %dma_wait3A_286 = arith.constant 0 : i32
      %dma_wait3A_287 = tpu.memref_slice %arg7[%dma_wait3A_284, %dma_wait3A_285, %dma_wait3A_286] : memref<2x128x128xf32, #tpu.memory_space<vmem>> -> memref<1x128x128xf32, #tpu.memory_space<vmem>>
      %dma_wait3A_288 = tpu.memref_squeeze %dma_wait3A_287 : memref<1x128x128xf32, #tpu.memory_space<vmem>> -> memref<128x128xf32, #tpu.memory_space<vmem>>
      %dma_wait3A_289 = arith.constant 0 : i32
      %dma_wait3A_290 = tpu.memref_slice %arg6[%dma_wait3A_282, %dma_wait3A_283, %dma_wait3A_289] : memref<4x2x128xi32, #tpu.memory_space<vmem>> -> memref<1x1x128xi32, #tpu.memory_space<vmem>>
      %dma_wait3A_291 = tpu.memref_squeeze %dma_wait3A_290 : memref<1x1x128xi32, #tpu.memory_space<vmem>> -> memref<128xi32, #tpu.memory_space<vmem>>
      %dma_wait3A_292 = arith.constant 0 : i32
      %dma_wait3A_293 = arith.constant 0 : i32
      %dma_wait3A_294 = tpu.memref_slice %arg2[%dma_wait3A_292, %dma_wait3A_293] : memref<40000x128xf32, #tpu.memory_space<hbm>> -> memref<40000x128xf32, #tpu.memory_space<hbm>>
      tpu.wait_indirect_dma semaphore(%arg9 : memref<!tpu.dma_semaphore, #tpu.memory_space<semaphore_mem>>) src(%dma_wait3A_294 : memref<40000x128xf32, #tpu.memory_space<hbm>>) dst(%dma_wait3A_288 : memref<128x128xf32, #tpu.memory_space<vmem>>)
      %dma_wait3A_295 = arith.constant 1 : i32
      %dma_wait3A_296 = arith.constant 1 : i32
      %dma_wait3A_297 = arith.constant 1 : i32
      %dma_wait3A_298 = arith.constant 0 : i32
      %dma_wait3A_299 = arith.constant 0 : i32
      %dma_wait3A_300 = tpu.memref_slice %arg7[%dma_wait3A_295, %dma_wait3A_298, %dma_wait3A_299] : memref<2x128x128xf32, #tpu.memory_space<vmem>> -> memref<1x128x128xf32, #tpu.memory_space<vmem>>
      %dma_wait3A_301 = tpu.memref_squeeze %dma_wait3A_300 : memref<1x128x128xf32, #tpu.memory_space<vmem>> -> memref<128x128xf32, #tpu.memory_space<vmem>>
      %dma_wait3A_302 = arith.constant 0 : i32
      %dma_wait3A_303 = tpu.memref_slice %arg6[%dma_wait3A_296, %dma_wait3A_297, %dma_wait3A_302] : memref<4x2x128xi32, #tpu.memory_space<vmem>> -> memref<1x1x128xi32, #tpu.memory_space<vmem>>
      %dma_wait3A_304 = tpu.memref_squeeze %dma_wait3A_303 : memref<1x1x128xi32, #tpu.memory_space<vmem>> -> memref<128xi32, #tpu.memory_space<vmem>>
      %dma_wait3A_305 = arith.constant 0 : i32
      %dma_wait3A_306 = arith.constant 0 : i32
      %dma_wait3A_307 = tpu.memref_slice %arg8[%dma_wait3A_305, %dma_wait3A_306] : memref<10008x128xf32, #tpu.memory_space<vmem_shared>> -> memref<10008x128xf32, #tpu.memory_space<vmem_shared>>
      tpu.wait_indirect_dma semaphore(%arg12 : memref<!tpu.dma_semaphore, #tpu.memory_space<semaphore_mem>>) src(%dma_wait3A_301 : memref<128x128xf32, #tpu.memory_space<vmem>>) dst(%dma_wait3A_307 : memref<10008x128xf32, #tpu.memory_space<vmem_shared>>)
      %add3A_308 = arith.constant 1 : i32
      %add3A_309 = arith.addi %add3A_281, %add3A_308 : i32
      %dma_wait3A_310 = arith.constant 3 : i32
      %dma_wait3A_311 = arith.constant 0 : i32
      %dma_wait3A_312 = arith.constant 0 : i32
      %dma_wait3A_313 = tpu.memref_slice %arg6[%dma_wait3A_310, %dma_wait3A_311, %dma_wait3A_312] : memref<4x2x128xi32, #tpu.memory_space<vmem>> -> memref<1x2x128xi32, #tpu.memory_space<vmem>>
      %dma_wait3A_314 = tpu.memref_squeeze %dma_wait3A_313 : memref<1x2x128xi32, #tpu.memory_space<vmem>> -> memref<2x128xi32, #tpu.memory_space<vmem>>
      %dma_wait3A_315 = arith.constant 0 : i32
      %dma_wait3A_316 = arith.constant 0 : i32
      %dma_wait3A_317 = tpu.memref_slice %arg4[%arg0, %arg1, %add3A_309, %dma_wait3A_315, %dma_wait3A_316] : memref<2x16x160x2x128xi32, #tpu.memory_space<hbm>> -> memref<1x1x1x2x128xi32, #tpu.memory_space<hbm>>
      %dma_wait3A_318 = tpu.memref_squeeze %dma_wait3A_317 : memref<1x1x1x2x128xi32, #tpu.memory_space<hbm>> -> memref<2x128xi32, #tpu.memory_space<hbm>>
      %dma_wait3A_319 = arith.constant 0 : i32
      %dma_wait3A_320 = arith.constant 0 : i32
      %dma_wait3A_321 = tpu.memref_slice %arg6[%dma_wait3A_310, %dma_wait3A_319, %dma_wait3A_320] : memref<4x2x128xi32, #tpu.memory_space<vmem>> -> memref<1x2x128xi32, #tpu.memory_space<vmem>>
      %dma_wait3A_322 = tpu.memref_squeeze %dma_wait3A_321 : memref<1x2x128xi32, #tpu.memory_space<vmem>> -> memref<2x128xi32, #tpu.memory_space<vmem>>
      %dma_wait3A_323 = arith.constant 0 : i32
      %dma_wait3A_324 = arith.constant 0 : i32
      %dma_wait3A_325 = tpu.memref_slice %arg4[%arg0, %arg1, %add3A_309, %dma_wait3A_323, %dma_wait3A_324] : memref<2x16x160x2x128xi32, #tpu.memory_space<hbm>> -> memref<1x1x1x2x128xi32, #tpu.memory_space<hbm>>
      %dma_wait3A_326 = tpu.memref_squeeze %dma_wait3A_325 : memref<1x1x1x2x128xi32, #tpu.memory_space<hbm>> -> memref<2x128xi32, #tpu.memory_space<hbm>>
      tpu.wait_dma2 semaphore(%arg16 : memref<!tpu.dma_semaphore, #tpu.memory_space<semaphore_mem>>) src(%dma_wait3A_326 : memref<2x128xi32, #tpu.memory_space<hbm>>) dst(%dma_wait3A_322 : memref<2x128xi32, #tpu.memory_space<vmem>>)
      %dma_start3A_327 = arith.constant 3 : i32
      %dma_start3A_328 = arith.constant 0 : i32
      %dma_start3A_329 = arith.constant 1 : i32
      %dma_start3A_330 = arith.constant 0 : i32
      %dma_start3A_331 = arith.constant 0 : i32
      %dma_start3A_332 = tpu.memref_slice %arg7[%dma_start3A_329, %dma_start3A_330, %dma_start3A_331] : memref<2x128x128xf32, #tpu.memory_space<vmem>> -> memref<1x128x128xf32, #tpu.memory_space<vmem>>
      %dma_start3A_333 = tpu.memref_squeeze %dma_start3A_332 : memref<1x128x128xf32, #tpu.memory_space<vmem>> -> memref<128x128xf32, #tpu.memory_space<vmem>>
      %dma_start3A_334 = arith.constant 0 : i32
      %dma_start3A_335 = tpu.memref_slice %arg6[%dma_start3A_327, %dma_start3A_328, %dma_start3A_334] : memref<4x2x128xi32, #tpu.memory_space<vmem>> -> memref<1x1x128xi32, #tpu.memory_space<vmem>>
      %dma_start3A_336 = tpu.memref_squeeze %dma_start3A_335 : memref<1x1x128xi32, #tpu.memory_space<vmem>> -> memref<128xi32, #tpu.memory_space<vmem>>
      %dma_start3A_337 = arith.constant 0 : i32
      %dma_start3A_338 = arith.constant 0 : i32
      %dma_start3A_339 = tpu.memref_slice %arg2[%dma_start3A_337, %dma_start3A_338] : memref<40000x128xf32, #tpu.memory_space<hbm>> -> memref<40000x128xf32, #tpu.memory_space<hbm>>
      tpu.enqueue_indirect_dma source(%dma_start3A_339 : memref<40000x128xf32, #tpu.memory_space<hbm>>) target(%dma_start3A_333 : memref<128x128xf32, #tpu.memory_space<vmem>>) offsets(%dma_start3A_336 : memref<128xi32, #tpu.memory_space<vmem>>) semaphore(%arg10 : memref<!tpu.dma_semaphore, #tpu.memory_space<semaphore_mem>>)
      %dma_start3A_340 = arith.constant 0 : i32
      %dma_start3A_341 = arith.constant 2 : i32
      %dma_start3A_342 = arith.constant 1 : i32
      %dma_start3A_343 = arith.constant 0 : i32
      %dma_start3A_344 = arith.constant 0 : i32
      %dma_start3A_345 = tpu.memref_slice %arg7[%dma_start3A_340, %dma_start3A_343, %dma_start3A_344] : memref<2x128x128xf32, #tpu.memory_space<vmem>> -> memref<1x128x128xf32, #tpu.memory_space<vmem>>
      %dma_start3A_346 = tpu.memref_squeeze %dma_start3A_345 : memref<1x128x128xf32, #tpu.memory_space<vmem>> -> memref<128x128xf32, #tpu.memory_space<vmem>>
      %dma_start3A_347 = arith.constant 0 : i32
      %dma_start3A_348 = tpu.memref_slice %arg6[%dma_start3A_341, %dma_start3A_342, %dma_start3A_347] : memref<4x2x128xi32, #tpu.memory_space<vmem>> -> memref<1x1x128xi32, #tpu.memory_space<vmem>>
      %dma_start3A_349 = tpu.memref_squeeze %dma_start3A_348 : memref<1x1x128xi32, #tpu.memory_space<vmem>> -> memref<128xi32, #tpu.memory_space<vmem>>
      %dma_start3A_350 = arith.constant 0 : i32
      %dma_start3A_351 = arith.constant 0 : i32
      %dma_start3A_352 = tpu.memref_slice %arg8[%dma_start3A_350, %dma_start3A_351] : memref<10008x128xf32, #tpu.memory_space<vmem_shared>> -> memref<10008x128xf32, #tpu.memory_space<vmem_shared>>
      tpu.enqueue_indirect_dma source(%dma_start3A_346 : memref<128x128xf32, #tpu.memory_space<vmem>>) target(%dma_start3A_352 : memref<10008x128xf32, #tpu.memory_space<vmem_shared>>) offsets(%dma_start3A_349 : memref<128xi32, #tpu.memory_space<vmem>>) semaphore(%arg11 : memref<!tpu.dma_semaphore, #tpu.memory_space<semaphore_mem>>) {add = true}
      %le3A = arith.constant 38 : i32
      %le3A_353 = arith.cmpi sle, %scan3A_98, %le3A : i32
      %convert_element_type3A_354 = arith.extui %le3A_353 : i1 to i32
      %cond3A_355 = arith.constant 0 : i32
      %cond3A_356 = arith.cmpi ne, %convert_element_type3A_354, %cond3A_355 : i32
      scf.if %cond3A_356 {
        %add3A_410 = arith.constant 2 : i32
        %add3A_411 = arith.addi %add3A_281, %add3A_410 : i32
        %dma_start3A_412 = arith.constant 0 : i32
        %dma_start3A_413 = arith.constant 0 : i32
        %dma_start3A_414 = arith.constant 0 : i32
        %dma_start3A_415 = tpu.memref_slice %arg6[%dma_start3A_412, %dma_start3A_413, %dma_start3A_414] : memref<4x2x128xi32, #tpu.memory_space<vmem>> -> memref<1x2x128xi32, #tpu.memory_space<vmem>>
        %dma_start3A_416 = tpu.memref_squeeze %dma_start3A_415 : memref<1x2x128xi32, #tpu.memory_space<vmem>> -> memref<2x128xi32, #tpu.memory_space<vmem>>
        %dma_start3A_417 = arith.constant 0 : i32
        %dma_start3A_418 = arith.constant 0 : i32
        %dma_start3A_419 = tpu.memref_slice %arg4[%arg0, %arg1, %add3A_411, %dma_start3A_417, %dma_start3A_418] : memref<2x16x160x2x128xi32, #tpu.memory_space<hbm>> -> memref<1x1x1x2x128xi32, #tpu.memory_space<hbm>>
        %dma_start3A_420 = tpu.memref_squeeze %dma_start3A_419 : memref<1x1x1x2x128xi32, #tpu.memory_space<hbm>> -> memref<2x128xi32, #tpu.memory_space<hbm>>
        %dma_start3A_421 = arith.constant 0 : i32
        %dma_start3A_422 = arith.constant 0 : i32
        %dma_start3A_423 = tpu.memref_slice %arg6[%dma_start3A_412, %dma_start3A_421, %dma_start3A_422] : memref<4x2x128xi32, #tpu.memory_space<vmem>> -> memref<1x2x128xi32, #tpu.memory_space<vmem>>
        %dma_start3A_424 = tpu.memref_squeeze %dma_start3A_423 : memref<1x2x128xi32, #tpu.memory_space<vmem>> -> memref<2x128xi32, #tpu.memory_space<vmem>>
        %dma_start3A_425 = arith.constant 0 : i32
        %dma_start3A_426 = arith.constant 0 : i32
        %dma_start3A_427 = tpu.memref_slice %arg4[%arg0, %arg1, %add3A_411, %dma_start3A_425, %dma_start3A_426] : memref<2x16x160x2x128xi32, #tpu.memory_space<hbm>> -> memref<1x1x1x2x128xi32, #tpu.memory_space<hbm>>
        %dma_start3A_428 = tpu.memref_squeeze %dma_start3A_427 : memref<1x1x1x2x128xi32, #tpu.memory_space<hbm>> -> memref<2x128xi32, #tpu.memory_space<hbm>>
        tpu.enqueue_dma source(%dma_start3A_428 : memref<2x128xi32, #tpu.memory_space<hbm>>) target(%dma_start3A_424 : memref<2x128xi32, #tpu.memory_space<vmem>>) target_semaphore(%arg13 : memref<!tpu.dma_semaphore, #tpu.memory_space<semaphore_mem>>)
      } else {
      }
      %mul3A_357 = arith.constant 4 : i32
      %mul3A_358 = arith.muli %mul3A_357, %scan3A_98 : i32
      %add3A_359 = arith.constant 3 : i32
      %add3A_360 = arith.addi %mul3A_358, %add3A_359 : i32
      %dma_wait3A_361 = arith.constant 3 : i32
      %dma_wait3A_362 = arith.constant 0 : i32
      %dma_wait3A_363 = arith.constant 1 : i32
      %dma_wait3A_364 = arith.constant 0 : i32
      %dma_wait3A_365 = arith.constant 0 : i32
      %dma_wait3A_366 = tpu.memref_slice %arg7[%dma_wait3A_363, %dma_wait3A_364, %dma_wait3A_365] : memref<2x128x128xf32, #tpu.memory_space<vmem>> -> memref<1x128x128xf32, #tpu.memory_space<vmem>>
      %dma_wait3A_367 = tpu.memref_squeeze %dma_wait3A_366 : memref<1x128x128xf32, #tpu.memory_space<vmem>> -> memref<128x128xf32, #tpu.memory_space<vmem>>
      %dma_wait3A_368 = arith.constant 0 : i32
      %dma_wait3A_369 = tpu.memref_slice %arg6[%dma_wait3A_361, %dma_wait3A_362, %dma_wait3A_368] : memref<4x2x128xi32, #tpu.memory_space<vmem>> -> memref<1x1x128xi32, #tpu.memory_space<vmem>>
      %dma_wait3A_370 = tpu.memref_squeeze %dma_wait3A_369 : memref<1x1x128xi32, #tpu.memory_space<vmem>> -> memref<128xi32, #tpu.memory_space<vmem>>
      %dma_wait3A_371 = arith.constant 0 : i32
      %dma_wait3A_372 = arith.constant 0 : i32
      %dma_wait3A_373 = tpu.memref_slice %arg2[%dma_wait3A_371, %dma_wait3A_372] : memref<40000x128xf32, #tpu.memory_space<hbm>> -> memref<40000x128xf32, #tpu.memory_space<hbm>>
      tpu.wait_indirect_dma semaphore(%arg10 : memref<!tpu.dma_semaphore, #tpu.memory_space<semaphore_mem>>) src(%dma_wait3A_373 : memref<40000x128xf32, #tpu.memory_space<hbm>>) dst(%dma_wait3A_367 : memref<128x128xf32, #tpu.memory_space<vmem>>)
      %dma_wait3A_374 = arith.constant 0 : i32
      %dma_wait3A_375 = arith.constant 2 : i32
      %dma_wait3A_376 = arith.constant 1 : i32
      %dma_wait3A_377 = arith.constant 0 : i32
      %dma_wait3A_378 = arith.constant 0 : i32
      %dma_wait3A_379 = tpu.memref_slice %arg7[%dma_wait3A_374, %dma_wait3A_377, %dma_wait3A_378] : memref<2x128x128xf32, #tpu.memory_space<vmem>> -> memref<1x128x128xf32, #tpu.memory_space<vmem>>
      %dma_wait3A_380 = tpu.memref_squeeze %dma_wait3A_379 : memref<1x128x128xf32, #tpu.memory_space<vmem>> -> memref<128x128xf32, #tpu.memory_space<vmem>>
      %dma_wait3A_381 = arith.constant 0 : i32
      %dma_wait3A_382 = tpu.memref_slice %arg6[%dma_wait3A_375, %dma_wait3A_376, %dma_wait3A_381] : memref<4x2x128xi32, #tpu.memory_space<vmem>> -> memref<1x1x128xi32, #tpu.memory_space<vmem>>
      %dma_wait3A_383 = tpu.memref_squeeze %dma_wait3A_382 : memref<1x1x128xi32, #tpu.memory_space<vmem>> -> memref<128xi32, #tpu.memory_space<vmem>>
      %dma_wait3A_384 = arith.constant 0 : i32
      %dma_wait3A_385 = arith.constant 0 : i32
      %dma_wait3A_386 = tpu.memref_slice %arg8[%dma_wait3A_384, %dma_wait3A_385] : memref<10008x128xf32, #tpu.memory_space<vmem_shared>> -> memref<10008x128xf32, #tpu.memory_space<vmem_shared>>
      tpu.wait_indirect_dma semaphore(%arg11 : memref<!tpu.dma_semaphore, #tpu.memory_space<semaphore_mem>>) src(%dma_wait3A_380 : memref<128x128xf32, #tpu.memory_space<vmem>>) dst(%dma_wait3A_386 : memref<10008x128xf32, #tpu.memory_space<vmem_shared>>)
      %le3A_387 = arith.constant 38 : i32
      %le3A_388 = arith.cmpi sle, %scan3A_98, %le3A_387 : i32
      %convert_element_type3A_389 = arith.extui %le3A_388 : i1 to i32
      %cond3A_390 = arith.constant 0 : i32
      %cond3A_391 = arith.cmpi ne, %convert_element_type3A_389, %cond3A_390 : i32
      scf.if %cond3A_391 {
        %add3A_410 = arith.constant 1 : i32
        %add3A_411 = arith.addi %add3A_360, %add3A_410 : i32
        %dma_wait3A_412 = arith.constant 0 : i32
        %dma_wait3A_413 = arith.constant 0 : i32
        %dma_wait3A_414 = arith.constant 0 : i32
        %dma_wait3A_415 = tpu.memref_slice %arg6[%dma_wait3A_412, %dma_wait3A_413, %dma_wait3A_414] : memref<4x2x128xi32, #tpu.memory_space<vmem>> -> memref<1x2x128xi32, #tpu.memory_space<vmem>>
        %dma_wait3A_416 = tpu.memref_squeeze %dma_wait3A_415 : memref<1x2x128xi32, #tpu.memory_space<vmem>> -> memref<2x128xi32, #tpu.memory_space<vmem>>
        %dma_wait3A_417 = arith.constant 0 : i32
        %dma_wait3A_418 = arith.constant 0 : i32
        %dma_wait3A_419 = tpu.memref_slice %arg4[%arg0, %arg1, %add3A_411, %dma_wait3A_417, %dma_wait3A_418] : memref<2x16x160x2x128xi32, #tpu.memory_space<hbm>> -> memref<1x1x1x2x128xi32, #tpu.memory_space<hbm>>
        %dma_wait3A_420 = tpu.memref_squeeze %dma_wait3A_419 : memref<1x1x1x2x128xi32, #tpu.memory_space<hbm>> -> memref<2x128xi32, #tpu.memory_space<hbm>>
        %dma_wait3A_421 = arith.constant 0 : i32
        %dma_wait3A_422 = arith.constant 0 : i32
        %dma_wait3A_423 = tpu.memref_slice %arg6[%dma_wait3A_412, %dma_wait3A_421, %dma_wait3A_422] : memref<4x2x128xi32, #tpu.memory_space<vmem>> -> memref<1x2x128xi32, #tpu.memory_space<vmem>>
        %dma_wait3A_424 = tpu.memref_squeeze %dma_wait3A_423 : memref<1x2x128xi32, #tpu.memory_space<vmem>> -> memref<2x128xi32, #tpu.memory_space<vmem>>
        %dma_wait3A_425 = arith.constant 0 : i32
        %dma_wait3A_426 = arith.constant 0 : i32
        %dma_wait3A_427 = tpu.memref_slice %arg4[%arg0, %arg1, %add3A_411, %dma_wait3A_425, %dma_wait3A_426] : memref<2x16x160x2x128xi32, #tpu.memory_space<hbm>> -> memref<1x1x1x2x128xi32, #tpu.memory_space<hbm>>
        %dma_wait3A_428 = tpu.memref_squeeze %dma_wait3A_427 : memref<1x1x1x2x128xi32, #tpu.memory_space<hbm>> -> memref<2x128xi32, #tpu.memory_space<hbm>>
        tpu.wait_dma2 semaphore(%arg13 : memref<!tpu.dma_semaphore, #tpu.memory_space<semaphore_mem>>) src(%dma_wait3A_428 : memref<2x128xi32, #tpu.memory_space<hbm>>) dst(%dma_wait3A_424 : memref<2x128xi32, #tpu.memory_space<vmem>>)
        %dma_start3A_429 = arith.constant 0 : i32
        %dma_start3A_430 = arith.constant 0 : i32
        %dma_start3A_431 = arith.constant 0 : i32
        %dma_start3A_432 = arith.constant 0 : i32
        %dma_start3A_433 = arith.constant 0 : i32
        %dma_start3A_434 = tpu.memref_slice %arg7[%dma_start3A_431, %dma_start3A_432, %dma_start3A_433] : memref<2x128x128xf32, #tpu.memory_space<vmem>> -> memref<1x128x128xf32, #tpu.memory_space<vmem>>
        %dma_start3A_435 = tpu.memref_squeeze %dma_start3A_434 : memref<1x128x128xf32, #tpu.memory_space<vmem>> -> memref<128x128xf32, #tpu.memory_space<vmem>>
        %dma_start3A_436 = arith.constant 0 : i32
        %dma_start3A_437 = tpu.memref_slice %arg6[%dma_start3A_429, %dma_start3A_430, %dma_start3A_436] : memref<4x2x128xi32, #tpu.memory_space<vmem>> -> memref<1x1x128xi32, #tpu.memory_space<vmem>>
        %dma_start3A_438 = tpu.memref_squeeze %dma_start3A_437 : memref<1x1x128xi32, #tpu.memory_space<vmem>> -> memref<128xi32, #tpu.memory_space<vmem>>
        %dma_start3A_439 = arith.constant 0 : i32
        %dma_start3A_440 = arith.constant 0 : i32
        %dma_start3A_441 = tpu.memref_slice %arg2[%dma_start3A_439, %dma_start3A_440] : memref<40000x128xf32, #tpu.memory_space<hbm>> -> memref<40000x128xf32, #tpu.memory_space<hbm>>
        tpu.enqueue_indirect_dma source(%dma_start3A_441 : memref<40000x128xf32, #tpu.memory_space<hbm>>) target(%dma_start3A_435 : memref<128x128xf32, #tpu.memory_space<vmem>>) offsets(%dma_start3A_438 : memref<128xi32, #tpu.memory_space<vmem>>) semaphore(%arg9 : memref<!tpu.dma_semaphore, #tpu.memory_space<semaphore_mem>>)
      } else {
      }
      %dma_start3A_392 = arith.constant 1 : i32
      %dma_start3A_393 = arith.constant 3 : i32
      %dma_start3A_394 = arith.constant 1 : i32
      %dma_start3A_395 = arith.constant 0 : i32
      %dma_start3A_396 = arith.constant 0 : i32
      %dma_start3A_397 = tpu.memref_slice %arg7[%dma_start3A_392, %dma_start3A_395, %dma_start3A_396] : memref<2x128x128xf32, #tpu.memory_space<vmem>> -> memref<1x128x128xf32, #tpu.memory_space<vmem>>
      %dma_start3A_398 = tpu.memref_squeeze %dma_start3A_397 : memref<1x128x128xf32, #tpu.memory_space<vmem>> -> memref<128x128xf32, #tpu.memory_space<vmem>>
      %dma_start3A_399 = arith.constant 0 : i32
      %dma_start3A_400 = tpu.memref_slice %arg6[%dma_start3A_393, %dma_start3A_394, %dma_start3A_399] : memref<4x2x128xi32, #tpu.memory_space<vmem>> -> memref<1x1x128xi32, #tpu.memory_space<vmem>>
      %dma_start3A_401 = tpu.memref_squeeze %dma_start3A_400 : memref<1x1x128xi32, #tpu.memory_space<vmem>> -> memref<128xi32, #tpu.memory_space<vmem>>
      %dma_start3A_402 = arith.constant 0 : i32
      %dma_start3A_403 = arith.constant 0 : i32
      %dma_start3A_404 = tpu.memref_slice %arg8[%dma_start3A_402, %dma_start3A_403] : memref<10008x128xf32, #tpu.memory_space<vmem_shared>> -> memref<10008x128xf32, #tpu.memory_space<vmem_shared>>
      tpu.enqueue_indirect_dma source(%dma_start3A_398 : memref<128x128xf32, #tpu.memory_space<vmem>>) target(%dma_start3A_404 : memref<10008x128xf32, #tpu.memory_space<vmem_shared>>) offsets(%dma_start3A_401 : memref<128xi32, #tpu.memory_space<vmem>>) semaphore(%arg12 : memref<!tpu.dma_semaphore, #tpu.memory_space<semaphore_mem>>) {add = true}
      %le3A_405 = arith.constant 38 : i32
      %le3A_406 = arith.cmpi sle, %scan3A_98, %le3A_405 : i32
      %convert_element_type3A_407 = arith.extui %le3A_406 : i1 to i32
      %cond3A_408 = arith.constant 0 : i32
      %cond3A_409 = arith.cmpi ne, %convert_element_type3A_407, %cond3A_408 : i32
      scf.if %cond3A_409 {
        %add3A_410 = arith.constant 2 : i32
        %add3A_411 = arith.addi %add3A_360, %add3A_410 : i32
        %dma_start3A_412 = arith.constant 1 : i32
        %dma_start3A_413 = arith.constant 0 : i32
        %dma_start3A_414 = arith.constant 0 : i32
        %dma_start3A_415 = tpu.memref_slice %arg6[%dma_start3A_412, %dma_start3A_413, %dma_start3A_414] : memref<4x2x128xi32, #tpu.memory_space<vmem>> -> memref<1x2x128xi32, #tpu.memory_space<vmem>>
        %dma_start3A_416 = tpu.memref_squeeze %dma_start3A_415 : memref<1x2x128xi32, #tpu.memory_space<vmem>> -> memref<2x128xi32, #tpu.memory_space<vmem>>
        %dma_start3A_417 = arith.constant 0 : i32
        %dma_start3A_418 = arith.constant 0 : i32
        %dma_start3A_419 = tpu.memref_slice %arg4[%arg0, %arg1, %add3A_411, %dma_start3A_417, %dma_start3A_418] : memref<2x16x160x2x128xi32, #tpu.memory_space<hbm>> -> memref<1x1x1x2x128xi32, #tpu.memory_space<hbm>>
        %dma_start3A_420 = tpu.memref_squeeze %dma_start3A_419 : memref<1x1x1x2x128xi32, #tpu.memory_space<hbm>> -> memref<2x128xi32, #tpu.memory_space<hbm>>
        %dma_start3A_421 = arith.constant 0 : i32
        %dma_start3A_422 = arith.constant 0 : i32
        %dma_start3A_423 = tpu.memref_slice %arg6[%dma_start3A_412, %dma_start3A_421, %dma_start3A_422] : memref<4x2x128xi32, #tpu.memory_space<vmem>> -> memref<1x2x128xi32, #tpu.memory_space<vmem>>
        %dma_start3A_424 = tpu.memref_squeeze %dma_start3A_423 : memref<1x2x128xi32, #tpu.memory_space<vmem>> -> memref<2x128xi32, #tpu.memory_space<vmem>>
        %dma_start3A_425 = arith.constant 0 : i32
        %dma_start3A_426 = arith.constant 0 : i32
        %dma_start3A_427 = tpu.memref_slice %arg4[%arg0, %arg1, %add3A_411, %dma_start3A_425, %dma_start3A_426] : memref<2x16x160x2x128xi32, #tpu.memory_space<hbm>> -> memref<1x1x1x2x128xi32, #tpu.memory_space<hbm>>
        %dma_start3A_428 = tpu.memref_squeeze %dma_start3A_427 : memref<1x1x1x2x128xi32, #tpu.memory_space<hbm>> -> memref<2x128xi32, #tpu.memory_space<hbm>>
        tpu.enqueue_dma source(%dma_start3A_428 : memref<2x128xi32, #tpu.memory_space<hbm>>) target(%dma_start3A_424 : memref<2x128xi32, #tpu.memory_space<vmem>>) target_semaphore(%arg14 : memref<!tpu.dma_semaphore, #tpu.memory_space<semaphore_mem>>)
      } else {
      }
    }
    %scan3A_76 = arith.constant 40 : i32
    %dma_wait3A_77 = arith.constant 1 : i32
    %dma_wait3A_78 = arith.constant 3 : i32
    %dma_wait3A_79 = arith.constant 1 : i32
    %dma_wait3A_80 = arith.constant 0 : i32
    %dma_wait3A_81 = arith.constant 0 : i32
    %dma_wait3A_82 = tpu.memref_slice %arg7[%dma_wait3A_77, %dma_wait3A_80, %dma_wait3A_81] : memref<2x128x128xf32, #tpu.memory_space<vmem>> -> memref<1x128x128xf32, #tpu.memory_space<vmem>>
    %dma_wait3A_83 = tpu.memref_squeeze %dma_wait3A_82 : memref<1x128x128xf32, #tpu.memory_space<vmem>> -> memref<128x128xf32, #tpu.memory_space<vmem>>
    %dma_wait3A_84 = arith.constant 0 : i32
    %dma_wait3A_85 = tpu.memref_slice %arg6[%dma_wait3A_78, %dma_wait3A_79, %dma_wait3A_84] : memref<4x2x128xi32, #tpu.memory_space<vmem>> -> memref<1x1x128xi32, #tpu.memory_space<vmem>>
    %dma_wait3A_86 = tpu.memref_squeeze %dma_wait3A_85 : memref<1x1x128xi32, #tpu.memory_space<vmem>> -> memref<128xi32, #tpu.memory_space<vmem>>
    %dma_wait3A_87 = arith.constant 0 : i32
    %dma_wait3A_88 = arith.constant 0 : i32
    %dma_wait3A_89 = tpu.memref_slice %arg8[%dma_wait3A_87, %dma_wait3A_88] : memref<10008x128xf32, #tpu.memory_space<vmem_shared>> -> memref<10008x128xf32, #tpu.memory_space<vmem_shared>>
    tpu.wait_indirect_dma semaphore(%arg12 : memref<!tpu.dma_semaphore, #tpu.memory_space<semaphore_mem>>) src(%dma_wait3A_83 : memref<128x128xf32, #tpu.memory_space<vmem>>) dst(%dma_wait3A_89 : memref<10008x128xf32, #tpu.memory_space<vmem_shared>>)
    %barrier3A_90 = arith.constant 0 : index
    tpu.barrier barrier_id(%barrier3A_90)
    %mul3A_91 = arith.constant 624 : i32
    %mul3A_92 = arith.muli %arg1, %mul3A_91 : i32
    "tpu.region"() ({
      %run_scoped3A = tpu.sem_alloc : memref<!tpu.dma_semaphore, #tpu.memory_space<semaphore_mem>>
      %dma_start3A_98 = arith.constant 0 : i32
      %dma_start3A_99 = tpu.memref_slice %arg5[%add3A, %dma_start3A_98] : memref<20000x128xf32, #tpu.memory_space<hbm>> -> memref<624x128xf32, #tpu.memory_space<hbm>>
      %dma_start3A_100 = arith.constant 0 : i32
      %dma_start3A_101 = tpu.memref_slice %arg8[%mul3A_92, %dma_start3A_100] : memref<10008x128xf32, #tpu.memory_space<vmem_shared>> -> memref<624x128xf32, #tpu.memory_space<vmem_shared>>
      tpu.enqueue_dma source(%dma_start3A_101 : memref<624x128xf32, #tpu.memory_space<vmem_shared>>) target(%dma_start3A_99 : memref<624x128xf32, #tpu.memory_space<hbm>>) target_semaphore(%run_scoped3A : memref<!tpu.dma_semaphore, #tpu.memory_space<semaphore_mem>>)
      %dma_wait3A_102 = arith.constant 0 : i32
      %dma_wait3A_103 = tpu.memref_slice %arg5[%add3A, %dma_wait3A_102] : memref<20000x128xf32, #tpu.memory_space<hbm>> -> memref<624x128xf32, #tpu.memory_space<hbm>>
      %dma_wait3A_104 = arith.constant 0 : i32
      %dma_wait3A_105 = tpu.memref_slice %arg8[%mul3A_92, %dma_wait3A_104] : memref<10008x128xf32, #tpu.memory_space<vmem_shared>> -> memref<624x128xf32, #tpu.memory_space<vmem_shared>>
      tpu.wait_dma2 semaphore(%run_scoped3A : memref<!tpu.dma_semaphore, #tpu.memory_space<semaphore_mem>>) src(%dma_wait3A_105 : memref<624x128xf32, #tpu.memory_space<vmem_shared>>) dst(%dma_wait3A_103 : memref<624x128xf32, #tpu.memory_space<hbm>>)
      tpu.yield
    }) : () -> ()
    %eq3A_93 = arith.constant 15 : i32
    %eq3A_94 = arith.cmpi eq, %arg1, %eq3A_93 : i32
    %convert_element_type3A_95 = arith.extui %eq3A_94 : i1 to i32
    %cond3A_96 = arith.constant 0 : i32
    %cond3A_97 = arith.cmpi ne, %convert_element_type3A_95, %cond3A_96 : i32
    scf.if %cond3A_97 {
      %mul3A_98 = arith.constant 10000 : i32
      %mul3A_99 = arith.muli %arg0, %mul3A_98 : i32
      %add3A_100 = arith.constant 9984 : i32
      %add3A_101 = arith.addi %mul3A_99, %add3A_100 : i32
      "tpu.region"() ({
        %run_scoped3A = tpu.sem_alloc : memref<!tpu.dma_semaphore, #tpu.memory_space<semaphore_mem>>
        %dma_start3A_102 = arith.constant 0 : i32
        %dma_start3A_103 = tpu.memref_slice %arg5[%add3A_101, %dma_start3A_102] : memref<20000x128xf32, #tpu.memory_space<hbm>> -> memref<16x128xf32, #tpu.memory_space<hbm>>
        %dma_start3A_104 = arith.constant 9984 : i32
        %dma_start3A_105 = arith.constant 0 : i32
        %dma_start3A_106 = tpu.memref_slice %arg8[%dma_start3A_104, %dma_start3A_105] : memref<10008x128xf32, #tpu.memory_space<vmem_shared>> -> memref<16x128xf32, #tpu.memory_space<vmem_shared>>
        tpu.enqueue_dma source(%dma_start3A_106 : memref<16x128xf32, #tpu.memory_space<vmem_shared>>) target(%dma_start3A_103 : memref<16x128xf32, #tpu.memory_space<hbm>>) target_semaphore(%run_scoped3A : memref<!tpu.dma_semaphore, #tpu.memory_space<semaphore_mem>>)
        %dma_wait3A_107 = arith.constant 0 : i32
        %dma_wait3A_108 = tpu.memref_slice %arg5[%add3A_101, %dma_wait3A_107] : memref<20000x128xf32, #tpu.memory_space<hbm>> -> memref<16x128xf32, #tpu.memory_space<hbm>>
        %dma_wait3A_109 = arith.constant 9984 : i32
        %dma_wait3A_110 = arith.constant 0 : i32
        %dma_wait3A_111 = tpu.memref_slice %arg8[%dma_wait3A_109, %dma_wait3A_110] : memref<10008x128xf32, #tpu.memory_space<vmem_shared>> -> memref<16x128xf32, #tpu.memory_space<vmem_shared>>
        tpu.wait_dma2 semaphore(%run_scoped3A : memref<!tpu.dma_semaphore, #tpu.memory_space<semaphore_mem>>) src(%dma_wait3A_111 : memref<16x128xf32, #tpu.memory_space<vmem_shared>>) dst(%dma_wait3A_108 : memref<16x128xf32, #tpu.memory_space<hbm>>)
        tpu.yield
      }) : () -> ()
    } else {
    }
    return
  }
}

#map = affine_map<(d0, d1) -> (0, 0)>
#map1 = affine_map<(d0, d1) -> (0, 0, 0, 0, 0)>
module attributes {stable_mosaic.version = 14 : i64} {
  func.func @body(%arg0: i32, %arg1: i32, %arg2: memref<40000x128xf32, #tpu.memory_space<hbm>>, %arg3: memref<20000x128xf32, #tpu.memory_space<hbm>>, %arg4: memref<2x16x160x2x128xi32, #tpu.memory_space<hbm>>, %arg5: memref<20000x128xf32, #tpu.memory_space<hbm>>, %arg6: memref<4x2x128xi32, #tpu.memory_space<vmem>>, %arg7: memref<2x128x128xf32, #tpu.memory_space<vmem>>, %arg8: memref<10008x128xf32, #tpu.memory_space<vmem_shared>>, %arg9: memref<!tpu.dma_semaphore, #tpu.memory_space<semaphore_mem>>, %arg10: memref<!tpu.dma_semaphore, #tpu.memory_space<semaphore_mem>>, %arg11: memref<!tpu.dma_semaphore, #tpu.memory_space<semaphore_mem>>, %arg12: memref<!tpu.dma_semaphore, #tpu.memory_space<semaphore_mem>>, %arg13: memref<!tpu.dma_semaphore, #tpu.memory_space<semaphore_mem>>, %arg14: memref<!tpu.dma_semaphore, #tpu.memory_space<semaphore_mem>>, %arg15: memref<!tpu.dma_semaphore, #tpu.memory_space<semaphore_mem>>, %arg16: memref<!tpu.dma_semaphore, #tpu.memory_space<semaphore_mem>>) attributes {dimension_semantics = [#tpu.dimension_semantics<core_parallel>, #tpu.dimension_semantics<subcore_parallel>], iteration_bounds = array<i64: 2, 16>, scalar_prefetch = 0 : i64, scratch_operands = 11 : i64, tpu.core_type = #tpu.core_type<sc_vector_subcore>, window_params = [{transform_indices = #map}, {transform_indices = #map}, {transform_indices = #map1}, {transform_indices = #map}]} {
    %mul3A = arith.constant 10000 : i32
    %mul3A_0 = arith.muli %arg0, %mul3A : i32
    %mul3A_1 = arith.constant 624 : i32
    %mul3A_2 = arith.muli %arg1, %mul3A_1 : i32
    %add3A = arith.addi %mul3A_0, %mul3A_2 : i32
    %mul3A_3 = arith.constant 624 : i32
    %mul3A_4 = arith.muli %arg1, %mul3A_3 : i32
    "tpu.region"() ({
      %run_scoped3A = tpu.sem_alloc : memref<!tpu.dma_semaphore, #tpu.memory_space<semaphore_mem>>
      %dma_start3A_98 = arith.constant 0 : i32
      %dma_start3A_99 = tpu.memref_slice %arg8[%mul3A_4, %dma_start3A_98] : memref<10008x128xf32, #tpu.memory_space<vmem_shared>> -> memref<624x128xf32, #tpu.memory_space<vmem_shared>>
      %dma_start3A_100 = arith.constant 0 : i32
      %dma_start3A_101 = tpu.memref_slice %arg3[%add3A, %dma_start3A_100] : memref<20000x128xf32, #tpu.memory_space<hbm>> -> memref<624x128xf32, #tpu.memory_space<hbm>>
      tpu.enqueue_dma source(%dma_start3A_101 : memref<624x128xf32, #tpu.memory_space<hbm>>) target(%dma_start3A_99 : memref<624x128xf32, #tpu.memory_space<vmem_shared>>) target_semaphore(%run_scoped3A : memref<!tpu.dma_semaphore, #tpu.memory_space<semaphore_mem>>)
      %dma_wait3A_102 = arith.constant 0 : i32
      %dma_wait3A_103 = tpu.memref_slice %arg8[%mul3A_4, %dma_wait3A_102] : memref<10008x128xf32, #tpu.memory_space<vmem_shared>> -> memref<624x128xf32, #tpu.memory_space<vmem_shared>>
      %dma_wait3A_104 = arith.constant 0 : i32
      %dma_wait3A_105 = tpu.memref_slice %arg3[%add3A, %dma_wait3A_104] : memref<20000x128xf32, #tpu.memory_space<hbm>> -> memref<624x128xf32, #tpu.memory_space<hbm>>
      tpu.wait_dma2 semaphore(%run_scoped3A : memref<!tpu.dma_semaphore, #tpu.memory_space<semaphore_mem>>) src(%dma_wait3A_105 : memref<624x128xf32, #tpu.memory_space<hbm>>) dst(%dma_wait3A_103 : memref<624x128xf32, #tpu.memory_space<vmem_shared>>)
      tpu.yield
    }) : () -> ()
    %eq3A = arith.constant 15 : i32
    %eq3A_5 = arith.cmpi eq, %arg1, %eq3A : i32
    %convert_element_type3A = arith.extui %eq3A_5 : i1 to i32
    %cond3A = arith.constant 0 : i32
    %cond3A_6 = arith.cmpi ne, %convert_element_type3A, %cond3A : i32
    scf.if %cond3A_6 {
      %mul3A_98 = arith.constant 10000 : i32
      %mul3A_99 = arith.muli %arg0, %mul3A_98 : i32
      %add3A_100 = arith.constant 9984 : i32
      %add3A_101 = arith.addi %mul3A_99, %add3A_100 : i32
      "tpu.region"() ({
        %run_scoped3A = tpu.sem_alloc : memref<!tpu.dma_semaphore, #tpu.memory_space<semaphore_mem>>
        %dma_start3A_102 = arith.constant 9984 : i32
        %dma_start3A_103 = arith.constant 0 : i32
        %dma_start3A_104 = tpu.memref_slice %arg8[%dma_start3A_102, %dma_start3A_103] : memref<10008x128xf32, #tpu.memory_space<vmem_shared>> -> memref<16x128xf32, #tpu.memory_space<vmem_shared>>
        %dma_start3A_105 = arith.constant 0 : i32
        %dma_start3A_106 = tpu.memref_slice %arg3[%add3A_101, %dma_start3A_105] : memref<20000x128xf32, #tpu.memory_space<hbm>> -> memref<16x128xf32, #tpu.memory_space<hbm>>
        tpu.enqueue_dma source(%dma_start3A_106 : memref<16x128xf32, #tpu.memory_space<hbm>>) target(%dma_start3A_104 : memref<16x128xf32, #tpu.memory_space<vmem_shared>>) target_semaphore(%run_scoped3A : memref<!tpu.dma_semaphore, #tpu.memory_space<semaphore_mem>>)
        %dma_wait3A_107 = arith.constant 9984 : i32
        %dma_wait3A_108 = arith.constant 0 : i32
        %dma_wait3A_109 = tpu.memref_slice %arg8[%dma_wait3A_107, %dma_wait3A_108] : memref<10008x128xf32, #tpu.memory_space<vmem_shared>> -> memref<16x128xf32, #tpu.memory_space<vmem_shared>>
        %dma_wait3A_110 = arith.constant 0 : i32
        %dma_wait3A_111 = tpu.memref_slice %arg3[%add3A_101, %dma_wait3A_110] : memref<20000x128xf32, #tpu.memory_space<hbm>> -> memref<16x128xf32, #tpu.memory_space<hbm>>
        tpu.wait_dma2 semaphore(%run_scoped3A : memref<!tpu.dma_semaphore, #tpu.memory_space<semaphore_mem>>) src(%dma_wait3A_111 : memref<16x128xf32, #tpu.memory_space<hbm>>) dst(%dma_wait3A_109 : memref<16x128xf32, #tpu.memory_space<vmem_shared>>)
        tpu.yield
      }) : () -> ()
    } else {
    }
    %barrier3A = arith.constant 0 : index
    tpu.barrier barrier_id(%barrier3A)
    %dma_start3A = arith.constant 0 : i32
    %dma_start3A_7 = arith.constant 0 : i32
    %dma_start3A_8 = arith.constant 0 : i32
    %dma_start3A_9 = arith.constant 0 : i32
    %dma_start3A_10 = tpu.memref_slice %arg6[%dma_start3A_7, %dma_start3A_8, %dma_start3A_9] : memref<4x2x128xi32, #tpu.memory_space<vmem>> -> memref<1x2x128xi32, #tpu.memory_space<vmem>>
    %dma_start3A_11 = tpu.memref_squeeze %dma_start3A_10 : memref<1x2x128xi32, #tpu.memory_space<vmem>> -> memref<2x128xi32, #tpu.memory_space<vmem>>
    %dma_start3A_12 = arith.constant 0 : i32
    %dma_start3A_13 = arith.constant 0 : i32
    %dma_start3A_14 = tpu.memref_slice %arg4[%arg0, %arg1, %dma_start3A, %dma_start3A_12, %dma_start3A_13] : memref<2x16x160x2x128xi32, #tpu.memory_space<hbm>> -> memref<1x1x1x2x128xi32, #tpu.memory_space<hbm>>
    %dma_start3A_15 = tpu.memref_squeeze %dma_start3A_14 : memref<1x1x1x2x128xi32, #tpu.memory_space<hbm>> -> memref<2x128xi32, #tpu.memory_space<hbm>>
    %dma_start3A_16 = arith.constant 0 : i32
    %dma_start3A_17 = arith.constant 0 : i32
    %dma_start3A_18 = tpu.memref_slice %arg6[%dma_start3A_7, %dma_start3A_16, %dma_start3A_17] : memref<4x2x128xi32, #tpu.memory_space<vmem>> -> memref<1x2x128xi32, #tpu.memory_space<vmem>>
    %dma_start3A_19 = tpu.memref_squeeze %dma_start3A_18 : memref<1x2x128xi32, #tpu.memory_space<vmem>> -> memref<2x128xi32, #tpu.memory_space<vmem>>
    %dma_start3A_20 = arith.constant 0 : i32
    %dma_start3A_21 = arith.constant 0 : i32
    %dma_start3A_22 = tpu.memref_slice %arg4[%arg0, %arg1, %dma_start3A, %dma_start3A_20, %dma_start3A_21] : memref<2x16x160x2x128xi32, #tpu.memory_space<hbm>> -> memref<1x1x1x2x128xi32, #tpu.memory_space<hbm>>
    %dma_start3A_23 = tpu.memref_squeeze %dma_start3A_22 : memref<1x1x1x2x128xi32, #tpu.memory_space<hbm>> -> memref<2x128xi32, #tpu.memory_space<hbm>>
    tpu.enqueue_dma source(%dma_start3A_23 : memref<2x128xi32, #tpu.memory_space<hbm>>) target(%dma_start3A_19 : memref<2x128xi32, #tpu.memory_space<vmem>>) target_semaphore(%arg13 : memref<!tpu.dma_semaphore, #tpu.memory_space<semaphore_mem>>)
    %dma_start3A_24 = arith.constant 1 : i32
    %dma_start3A_25 = arith.constant 1 : i32
    %dma_start3A_26 = arith.constant 0 : i32
    %dma_start3A_27 = arith.constant 0 : i32
    %dma_start3A_28 = tpu.memref_slice %arg6[%dma_start3A_25, %dma_start3A_26, %dma_start3A_27] : memref<4x2x128xi32, #tpu.memory_space<vmem>> -> memref<1x2x128xi32, #tpu.memory_space<vmem>>
    %dma_start3A_29 = tpu.memref_squeeze %dma_start3A_28 : memref<1x2x128xi32, #tpu.memory_space<vmem>> -> memref<2x128xi32, #tpu.memory_space<vmem>>
    %dma_start3A_30 = arith.constant 0 : i32
    %dma_start3A_31 = arith.constant 0 : i32
    %dma_start3A_32 = tpu.memref_slice %arg4[%arg0, %arg1, %dma_start3A_24, %dma_start3A_30, %dma_start3A_31] : memref<2x16x160x2x128xi32, #tpu.memory_space<hbm>> -> memref<1x1x1x2x128xi32, #tpu.memory_space<hbm>>
    %dma_start3A_33 = tpu.memref_squeeze %dma_start3A_32 : memref<1x1x1x2x128xi32, #tpu.memory_space<hbm>> -> memref<2x128xi32, #tpu.memory_space<hbm>>
    %dma_start3A_34 = arith.constant 0 : i32
    %dma_start3A_35 = arith.constant 0 : i32
    %dma_start3A_36 = tpu.memref_slice %arg6[%dma_start3A_25, %dma_start3A_34, %dma_start3A_35] : memref<4x2x128xi32, #tpu.memory_space<vmem>> -> memref<1x2x128xi32, #tpu.memory_space<vmem>>
    %dma_start3A_37 = tpu.memref_squeeze %dma_start3A_36 : memref<1x2x128xi32, #tpu.memory_space<vmem>> -> memref<2x128xi32, #tpu.memory_space<vmem>>
    %dma_start3A_38 = arith.constant 0 : i32
    %dma_start3A_39 = arith.constant 0 : i32
    %dma_start3A_40 = tpu.memref_slice %arg4[%arg0, %arg1, %dma_start3A_24, %dma_start3A_38, %dma_start3A_39] : memref<2x16x160x2x128xi32, #tpu.memory_space<hbm>> -> memref<1x1x1x2x128xi32, #tpu.memory_space<hbm>>
    %dma_start3A_41 = tpu.memref_squeeze %dma_start3A_40 : memref<1x1x1x2x128xi32, #tpu.memory_space<hbm>> -> memref<2x128xi32, #tpu.memory_space<hbm>>
    tpu.enqueue_dma source(%dma_start3A_41 : memref<2x128xi32, #tpu.memory_space<hbm>>) target(%dma_start3A_37 : memref<2x128xi32, #tpu.memory_space<vmem>>) target_semaphore(%arg14 : memref<!tpu.dma_semaphore, #tpu.memory_space<semaphore_mem>>)
    %dma_wait3A = arith.constant 0 : i32
    %dma_wait3A_42 = arith.constant 0 : i32
    %dma_wait3A_43 = arith.constant 0 : i32
    %dma_wait3A_44 = arith.constant 0 : i32
    %dma_wait3A_45 = tpu.memref_slice %arg6[%dma_wait3A_42, %dma_wait3A_43, %dma_wait3A_44] : memref<4x2x128xi32, #tpu.memory_space<vmem>> -> memref<1x2x128xi32, #tpu.memory_space<vmem>>
    %dma_wait3A_46 = tpu.memref_squeeze %dma_wait3A_45 : memref<1x2x128xi32, #tpu.memory_space<vmem>> -> memref<2x128xi32, #tpu.memory_space<vmem>>
    %dma_wait3A_47 = arith.constant 0 : i32
    %dma_wait3A_48 = arith.constant 0 : i32
    %dma_wait3A_49 = tpu.memref_slice %arg4[%arg0, %arg1, %dma_wait3A, %dma_wait3A_47, %dma_wait3A_48] : memref<2x16x160x2x128xi32, #tpu.memory_space<hbm>> -> memref<1x1x1x2x128xi32, #tpu.memory_space<hbm>>
    %dma_wait3A_50 = tpu.memref_squeeze %dma_wait3A_49 : memref<1x1x1x2x128xi32, #tpu.memory_space<hbm>> -> memref<2x128xi32, #tpu.memory_space<hbm>>
    %dma_wait3A_51 = arith.constant 0 : i32
    %dma_wait3A_52 = arith.constant 0 : i32
    %dma_wait3A_53 = tpu.memref_slice %arg6[%dma_wait3A_42, %dma_wait3A_51, %dma_wait3A_52] : memref<4x2x128xi32, #tpu.memory_space<vmem>> -> memref<1x2x128xi32, #tpu.memory_space<vmem>>
    %dma_wait3A_54 = tpu.memref_squeeze %dma_wait3A_53 : memref<1x2x128xi32, #tpu.memory_space<vmem>> -> memref<2x128xi32, #tpu.memory_space<vmem>>
    %dma_wait3A_55 = arith.constant 0 : i32
    %dma_wait3A_56 = arith.constant 0 : i32
    %dma_wait3A_57 = tpu.memref_slice %arg4[%arg0, %arg1, %dma_wait3A, %dma_wait3A_55, %dma_wait3A_56] : memref<2x16x160x2x128xi32, #tpu.memory_space<hbm>> -> memref<1x1x1x2x128xi32, #tpu.memory_space<hbm>>
    %dma_wait3A_58 = tpu.memref_squeeze %dma_wait3A_57 : memref<1x1x1x2x128xi32, #tpu.memory_space<hbm>> -> memref<2x128xi32, #tpu.memory_space<hbm>>
    tpu.wait_dma2 semaphore(%arg13 : memref<!tpu.dma_semaphore, #tpu.memory_space<semaphore_mem>>) src(%dma_wait3A_58 : memref<2x128xi32, #tpu.memory_space<hbm>>) dst(%dma_wait3A_54 : memref<2x128xi32, #tpu.memory_space<vmem>>)
    %dma_start3A_59 = arith.constant 0 : i32
    %dma_start3A_60 = arith.constant 0 : i32
    %dma_start3A_61 = arith.constant 0 : i32
    %dma_start3A_62 = arith.constant 0 : i32
    %dma_start3A_63 = arith.constant 0 : i32
    %dma_start3A_64 = tpu.memref_slice %arg7[%dma_start3A_61, %dma_start3A_62, %dma_start3A_63] : memref<2x128x128xf32, #tpu.memory_space<vmem>> -> memref<1x128x128xf32, #tpu.memory_space<vmem>>
    %dma_start3A_65 = tpu.memref_squeeze %dma_start3A_64 : memref<1x128x128xf32, #tpu.memory_space<vmem>> -> memref<128x128xf32, #tpu.memory_space<vmem>>
    %dma_start3A_66 = arith.constant 0 : i32
    %dma_start3A_67 = tpu.memref_slice %arg6[%dma_start3A_59, %dma_start3A_60, %dma_start3A_66] : memref<4x2x128xi32, #tpu.memory_space<vmem>> -> memref<1x1x128xi32, #tpu.memory_space<vmem>>
    %dma_start3A_68 = tpu.memref_squeeze %dma_start3A_67 : memref<1x1x128xi32, #tpu.memory_space<vmem>> -> memref<128xi32, #tpu.memory_space<vmem>>
    %dma_start3A_69 = arith.constant 0 : i32
    %dma_start3A_70 = arith.constant 0 : i32
    %dma_start3A_71 = tpu.memref_slice %arg2[%dma_start3A_69, %dma_start3A_70] : memref<40000x128xf32, #tpu.memory_space<hbm>> -> memref<40000x128xf32, #tpu.memory_space<hbm>>
    tpu.enqueue_indirect_dma source(%dma_start3A_71 : memref<40000x128xf32, #tpu.memory_space<hbm>>) target(%dma_start3A_65 : memref<128x128xf32, #tpu.memory_space<vmem>>) offsets(%dma_start3A_68 : memref<128xi32, #tpu.memory_space<vmem>>) semaphore(%arg9 : memref<!tpu.dma_semaphore, #tpu.memory_space<semaphore_mem>>)
    %scan3A = arith.constant 0 : i32
    %scan3A_72 = arith.constant 0 : i32
    %scan3A_73 = arith.constant 40 : i32
    %scan3A_74 = arith.addi %scan3A_72, %scan3A_73 : i32
    %scan3A_75 = arith.constant 1 : i32
    scf.for %scan3A_98 = %scan3A_72 to %scan3A_74 step %scan3A_75  : i32 {
      %mul3A_99 = arith.constant 4 : i32
      %mul3A_100 = arith.muli %mul3A_99, %scan3A_98 : i32
      %add3A_101 = arith.constant 0 : i32
      %add3A_102 = arith.addi %mul3A_100, %add3A_101 : i32
      %dma_wait3A_103 = arith.constant 0 : i32
      %dma_wait3A_104 = arith.constant 0 : i32
      %dma_wait3A_105 = arith.constant 0 : i32
      %dma_wait3A_106 = arith.constant 0 : i32
      %dma_wait3A_107 = arith.constant 0 : i32
      %dma_wait3A_108 = tpu.memref_slice %arg7[%dma_wait3A_105, %dma_wait3A_106, %dma_wait3A_107] : memref<2x128x128xf32, #tpu.memory_space<vmem>> -> memref<1x128x128xf32, #tpu.memory_space<vmem>>
      %dma_wait3A_109 = tpu.memref_squeeze %dma_wait3A_108 : memref<1x128x128xf32, #tpu.memory_space<vmem>> -> memref<128x128xf32, #tpu.memory_space<vmem>>
      %dma_wait3A_110 = arith.constant 0 : i32
      %dma_wait3A_111 = tpu.memref_slice %arg6[%dma_wait3A_103, %dma_wait3A_104, %dma_wait3A_110] : memref<4x2x128xi32, #tpu.memory_space<vmem>> -> memref<1x1x128xi32, #tpu.memory_space<vmem>>
      %dma_wait3A_112 = tpu.memref_squeeze %dma_wait3A_111 : memref<1x1x128xi32, #tpu.memory_space<vmem>> -> memref<128xi32, #tpu.memory_space<vmem>>
      %dma_wait3A_113 = arith.constant 0 : i32
      %dma_wait3A_114 = arith.constant 0 : i32
      %dma_wait3A_115 = tpu.memref_slice %arg2[%dma_wait3A_113, %dma_wait3A_114] : memref<40000x128xf32, #tpu.memory_space<hbm>> -> memref<40000x128xf32, #tpu.memory_space<hbm>>
      tpu.wait_indirect_dma semaphore(%arg9 : memref<!tpu.dma_semaphore, #tpu.memory_space<semaphore_mem>>) src(%dma_wait3A_115 : memref<40000x128xf32, #tpu.memory_space<hbm>>) dst(%dma_wait3A_109 : memref<128x128xf32, #tpu.memory_space<vmem>>)
      %ge3A = arith.constant 1 : i32
      %ge3A_116 = arith.cmpi sge, %scan3A_98, %ge3A : i32
      %convert_element_type3A_117 = arith.extui %ge3A_116 : i1 to i32
      %cond3A_118 = arith.constant 0 : i32
      %cond3A_119 = arith.cmpi ne, %convert_element_type3A_117, %cond3A_118 : i32
      scf.if %cond3A_119 {
        %dma_wait3A_410 = arith.constant 1 : i32
        %dma_wait3A_411 = arith.constant 3 : i32
        %dma_wait3A_412 = arith.constant 1 : i32
        %dma_wait3A_413 = arith.constant 0 : i32
        %dma_wait3A_414 = arith.constant 0 : i32
        %dma_wait3A_415 = tpu.memref_slice %arg7[%dma_wait3A_410, %dma_wait3A_413, %dma_wait3A_414] : memref<2x128x128xf32, #tpu.memory_space<vmem>> -> memref<1x128x128xf32, #tpu.memory_space<vmem>>
        %dma_wait3A_416 = tpu.memref_squeeze %dma_wait3A_415 : memref<1x128x128xf32, #tpu.memory_space<vmem>> -> memref<128x128xf32, #tpu.memory_space<vmem>>
        %dma_wait3A_417 = arith.constant 0 : i32
        %dma_wait3A_418 = tpu.memref_slice %arg6[%dma_wait3A_411, %dma_wait3A_412, %dma_wait3A_417] : memref<4x2x128xi32, #tpu.memory_space<vmem>> -> memref<1x1x128xi32, #tpu.memory_space<vmem>>
        %dma_wait3A_419 = tpu.memref_squeeze %dma_wait3A_418 : memref<1x1x128xi32, #tpu.memory_space<vmem>> -> memref<128xi32, #tpu.memory_space<vmem>>
        %dma_wait3A_420 = arith.constant 0 : i32
        %dma_wait3A_421 = arith.constant 0 : i32
        %dma_wait3A_422 = tpu.memref_slice %arg8[%dma_wait3A_420, %dma_wait3A_421] : memref<10008x128xf32, #tpu.memory_space<vmem_shared>> -> memref<10008x128xf32, #tpu.memory_space<vmem_shared>>
        tpu.wait_indirect_dma semaphore(%arg12 : memref<!tpu.dma_semaphore, #tpu.memory_space<semaphore_mem>>) src(%dma_wait3A_416 : memref<128x128xf32, #tpu.memory_space<vmem>>) dst(%dma_wait3A_422 : memref<10008x128xf32, #tpu.memory_space<vmem_shared>>)
      } else {
      }
      %add3A_120 = arith.constant 1 : i32
      %add3A_121 = arith.addi %add3A_102, %add3A_120 : i32
      %dma_wait3A_122 = arith.constant 1 : i32
      %dma_wait3A_123 = arith.constant 0 : i32
      %dma_wait3A_124 = arith.constant 0 : i32
      %dma_wait3A_125 = tpu.memref_slice %arg6[%dma_wait3A_122, %dma_wait3A_123, %dma_wait3A_124] : memref<4x2x128xi32, #tpu.memory_space<vmem>> -> memref<1x2x128xi32, #tpu.memory_space<vmem>>
      %dma_wait3A_126 = tpu.memref_squeeze %dma_wait3A_125 : memref<1x2x128xi32, #tpu.memory_space<vmem>> -> memref<2x128xi32, #tpu.memory_space<vmem>>
      %dma_wait3A_127 = arith.constant 0 : i32
      %dma_wait3A_128 = arith.constant 0 : i32
      %dma_wait3A_129 = tpu.memref_slice %arg4[%arg0, %arg1, %add3A_121, %dma_wait3A_127, %dma_wait3A_128] : memref<2x16x160x2x128xi32, #tpu.memory_space<hbm>> -> memref<1x1x1x2x128xi32, #tpu.memory_space<hbm>>
      %dma_wait3A_130 = tpu.memref_squeeze %dma_wait3A_129 : memref<1x1x1x2x128xi32, #tpu.memory_space<hbm>> -> memref<2x128xi32, #tpu.memory_space<hbm>>
      %dma_wait3A_131 = arith.constant 0 : i32
      %dma_wait3A_132 = arith.constant 0 : i32
      %dma_wait3A_133 = tpu.memref_slice %arg6[%dma_wait3A_122, %dma_wait3A_131, %dma_wait3A_132] : memref<4x2x128xi32, #tpu.memory_space<vmem>> -> memref<1x2x128xi32, #tpu.memory_space<vmem>>
      %dma_wait3A_134 = tpu.memref_squeeze %dma_wait3A_133 : memref<1x2x128xi32, #tpu.memory_space<vmem>> -> memref<2x128xi32, #tpu.memory_space<vmem>>
      %dma_wait3A_135 = arith.constant 0 : i32
      %dma_wait3A_136 = arith.constant 0 : i32
      %dma_wait3A_137 = tpu.memref_slice %arg4[%arg0, %arg1, %add3A_121, %dma_wait3A_135, %dma_wait3A_136] : memref<2x16x160x2x128xi32, #tpu.memory_space<hbm>> -> memref<1x1x1x2x128xi32, #tpu.memory_space<hbm>>
      %dma_wait3A_138 = tpu.memref_squeeze %dma_wait3A_137 : memref<1x1x1x2x128xi32, #tpu.memory_space<hbm>> -> memref<2x128xi32, #tpu.memory_space<hbm>>
      tpu.wait_dma2 semaphore(%arg14 : memref<!tpu.dma_semaphore, #tpu.memory_space<semaphore_mem>>) src(%dma_wait3A_138 : memref<2x128xi32, #tpu.memory_space<hbm>>) dst(%dma_wait3A_134 : memref<2x128xi32, #tpu.memory_space<vmem>>)
      %dma_start3A_139 = arith.constant 1 : i32
      %dma_start3A_140 = arith.constant 0 : i32
      %dma_start3A_141 = arith.constant 1 : i32
      %dma_start3A_142 = arith.constant 0 : i32
      %dma_start3A_143 = arith.constant 0 : i32
      %dma_start3A_144 = tpu.memref_slice %arg7[%dma_start3A_141, %dma_start3A_142, %dma_start3A_143] : memref<2x128x128xf32, #tpu.memory_space<vmem>> -> memref<1x128x128xf32, #tpu.memory_space<vmem>>
      %dma_start3A_145 = tpu.memref_squeeze %dma_start3A_144 : memref<1x128x128xf32, #tpu.memory_space<vmem>> -> memref<128x128xf32, #tpu.memory_space<vmem>>
      %dma_start3A_146 = arith.constant 0 : i32
      %dma_start3A_147 = tpu.memref_slice %arg6[%dma_start3A_139, %dma_start3A_140, %dma_start3A_146] : memref<4x2x128xi32, #tpu.memory_space<vmem>> -> memref<1x1x128xi32, #tpu.memory_space<vmem>>
      %dma_start3A_148 = tpu.memref_squeeze %dma_start3A_147 : memref<1x1x128xi32, #tpu.memory_space<vmem>> -> memref<128xi32, #tpu.memory_space<vmem>>
      %dma_start3A_149 = arith.constant 0 : i32
      %dma_start3A_150 = arith.constant 0 : i32
      %dma_start3A_151 = tpu.memref_slice %arg2[%dma_start3A_149, %dma_start3A_150] : memref<40000x128xf32, #tpu.memory_space<hbm>> -> memref<40000x128xf32, #tpu.memory_space<hbm>>
      tpu.enqueue_indirect_dma source(%dma_start3A_151 : memref<40000x128xf32, #tpu.memory_space<hbm>>) target(%dma_start3A_145 : memref<128x128xf32, #tpu.memory_space<vmem>>) offsets(%dma_start3A_148 : memref<128xi32, #tpu.memory_space<vmem>>) semaphore(%arg10 : memref<!tpu.dma_semaphore, #tpu.memory_space<semaphore_mem>>)
      %dma_start3A_152 = arith.constant 0 : i32
      %dma_start3A_153 = arith.constant 0 : i32
      %dma_start3A_154 = arith.constant 1 : i32
      %dma_start3A_155 = arith.constant 0 : i32
      %dma_start3A_156 = arith.constant 0 : i32
      %dma_start3A_157 = tpu.memref_slice %arg7[%dma_start3A_152, %dma_start3A_155, %dma_start3A_156] : memref<2x128x128xf32, #tpu.memory_space<vmem>> -> memref<1x128x128xf32, #tpu.memory_space<vmem>>
      %dma_start3A_158 = tpu.memref_squeeze %dma_start3A_157 : memref<1x128x128xf32, #tpu.memory_space<vmem>> -> memref<128x128xf32, #tpu.memory_space<vmem>>
      %dma_start3A_159 = arith.constant 0 : i32
      %dma_start3A_160 = tpu.memref_slice %arg6[%dma_start3A_153, %dma_start3A_154, %dma_start3A_159] : memref<4x2x128xi32, #tpu.memory_space<vmem>> -> memref<1x1x128xi32, #tpu.memory_space<vmem>>
      %dma_start3A_161 = tpu.memref_squeeze %dma_start3A_160 : memref<1x1x128xi32, #tpu.memory_space<vmem>> -> memref<128xi32, #tpu.memory_space<vmem>>
      %dma_start3A_162 = arith.constant 0 : i32
      %dma_start3A_163 = arith.constant 0 : i32
      %dma_start3A_164 = tpu.memref_slice %arg8[%dma_start3A_162, %dma_start3A_163] : memref<10008x128xf32, #tpu.memory_space<vmem_shared>> -> memref<10008x128xf32, #tpu.memory_space<vmem_shared>>
      tpu.enqueue_indirect_dma source(%dma_start3A_158 : memref<128x128xf32, #tpu.memory_space<vmem>>) target(%dma_start3A_164 : memref<10008x128xf32, #tpu.memory_space<vmem_shared>>) offsets(%dma_start3A_161 : memref<128xi32, #tpu.memory_space<vmem>>) semaphore(%arg11 : memref<!tpu.dma_semaphore, #tpu.memory_space<semaphore_mem>>) {add = true}
      %add3A_165 = arith.constant 2 : i32
      %add3A_166 = arith.addi %add3A_102, %add3A_165 : i32
      %dma_start3A_167 = arith.constant 2 : i32
      %dma_start3A_168 = arith.constant 0 : i32
      %dma_start3A_169 = arith.constant 0 : i32
      %dma_start3A_170 = tpu.memref_slice %arg6[%dma_start3A_167, %dma_start3A_168, %dma_start3A_169] : memref<4x2x128xi32, #tpu.memory_space<vmem>> -> memref<1x2x128xi32, #tpu.memory_space<vmem>>
      %dma_start3A_171 = tpu.memref_squeeze %dma_start3A_170 : memref<1x2x128xi32, #tpu.memory_space<vmem>> -> memref<2x128xi32, #tpu.memory_space<vmem>>
      %dma_start3A_172 = arith.constant 0 : i32
      %dma_start3A_173 = arith.constant 0 : i32
      %dma_start3A_174 = tpu.memref_slice %arg4[%arg0, %arg1, %add3A_166, %dma_start3A_172, %dma_start3A_173] : memref<2x16x160x2x128xi32, #tpu.memory_space<hbm>> -> memref<1x1x1x2x128xi32, #tpu.memory_space<hbm>>
      %dma_start3A_175 = tpu.memref_squeeze %dma_start3A_174 : memref<1x1x1x2x128xi32, #tpu.memory_space<hbm>> -> memref<2x128xi32, #tpu.memory_space<hbm>>
      %dma_start3A_176 = arith.constant 0 : i32
      %dma_start3A_177 = arith.constant 0 : i32
      %dma_start3A_178 = tpu.memref_slice %arg6[%dma_start3A_167, %dma_start3A_176, %dma_start3A_177] : memref<4x2x128xi32, #tpu.memory_space<vmem>> -> memref<1x2x128xi32, #tpu.memory_space<vmem>>
      %dma_start3A_179 = tpu.memref_squeeze %dma_start3A_178 : memref<1x2x128xi32, #tpu.memory_space<vmem>> -> memref<2x128xi32, #tpu.memory_space<vmem>>
      %dma_start3A_180 = arith.constant 0 : i32
      %dma_start3A_181 = arith.constant 0 : i32
      %dma_start3A_182 = tpu.memref_slice %arg4[%arg0, %arg1, %add3A_166, %dma_start3A_180, %dma_start3A_181] : memref<2x16x160x2x128xi32, #tpu.memory_space<hbm>> -> memref<1x1x1x2x128xi32, #tpu.memory_space<hbm>>
      %dma_start3A_183 = tpu.memref_squeeze %dma_start3A_182 : memref<1x1x1x2x128xi32, #tpu.memory_space<hbm>> -> memref<2x128xi32, #tpu.memory_space<hbm>>
      tpu.enqueue_dma source(%dma_start3A_183 : memref<2x128xi32, #tpu.memory_space<hbm>>) target(%dma_start3A_179 : memref<2x128xi32, #tpu.memory_space<vmem>>) target_semaphore(%arg15 : memref<!tpu.dma_semaphore, #tpu.memory_space<semaphore_mem>>)
      %mul3A_184 = arith.constant 4 : i32
      %mul3A_185 = arith.muli %mul3A_184, %scan3A_98 : i32
      %add3A_186 = arith.constant 1 : i32
      %add3A_187 = arith.addi %mul3A_185, %add3A_186 : i32
      %dma_wait3A_188 = arith.constant 1 : i32
      %dma_wait3A_189 = arith.constant 0 : i32
      %dma_wait3A_190 = arith.constant 1 : i32
      %dma_wait3A_191 = arith.constant 0 : i32
      %dma_wait3A_192 = arith.constant 0 : i32
      %dma_wait3A_193 = tpu.memref_slice %arg7[%dma_wait3A_190, %dma_wait3A_191, %dma_wait3A_192] : memref<2x128x128xf32, #tpu.memory_space<vmem>> -> memref<1x128x128xf32, #tpu.memory_space<vmem>>
      %dma_wait3A_194 = tpu.memref_squeeze %dma_wait3A_193 : memref<1x128x128xf32, #tpu.memory_space<vmem>> -> memref<128x128xf32, #tpu.memory_space<vmem>>
      %dma_wait3A_195 = arith.constant 0 : i32
      %dma_wait3A_196 = tpu.memref_slice %arg6[%dma_wait3A_188, %dma_wait3A_189, %dma_wait3A_195] : memref<4x2x128xi32, #tpu.memory_space<vmem>> -> memref<1x1x128xi32, #tpu.memory_space<vmem>>
      %dma_wait3A_197 = tpu.memref_squeeze %dma_wait3A_196 : memref<1x1x128xi32, #tpu.memory_space<vmem>> -> memref<128xi32, #tpu.memory_space<vmem>>
      %dma_wait3A_198 = arith.constant 0 : i32
      %dma_wait3A_199 = arith.constant 0 : i32
      %dma_wait3A_200 = tpu.memref_slice %arg2[%dma_wait3A_198, %dma_wait3A_199] : memref<40000x128xf32, #tpu.memory_space<hbm>> -> memref<40000x128xf32, #tpu.memory_space<hbm>>
      tpu.wait_indirect_dma semaphore(%arg10 : memref<!tpu.dma_semaphore, #tpu.memory_space<semaphore_mem>>) src(%dma_wait3A_200 : memref<40000x128xf32, #tpu.memory_space<hbm>>) dst(%dma_wait3A_194 : memref<128x128xf32, #tpu.memory_space<vmem>>)
      %dma_wait3A_201 = arith.constant 0 : i32
      %dma_wait3A_202 = arith.constant 0 : i32
      %dma_wait3A_203 = arith.constant 1 : i32
      %dma_wait3A_204 = arith.constant 0 : i32
      %dma_wait3A_205 = arith.constant 0 : i32
      %dma_wait3A_206 = tpu.memref_slice %arg7[%dma_wait3A_201, %dma_wait3A_204, %dma_wait3A_205] : memref<2x128x128xf32, #tpu.memory_space<vmem>> -> memref<1x128x128xf32, #tpu.memory_space<vmem>>
      %dma_wait3A_207 = tpu.memref_squeeze %dma_wait3A_206 : memref<1x128x128xf32, #tpu.memory_space<vmem>> -> memref<128x128xf32, #tpu.memory_space<vmem>>
      %dma_wait3A_208 = arith.constant 0 : i32
      %dma_wait3A_209 = tpu.memref_slice %arg6[%dma_wait3A_202, %dma_wait3A_203, %dma_wait3A_208] : memref<4x2x128xi32, #tpu.memory_space<vmem>> -> memref<1x1x128xi32, #tpu.memory_space<vmem>>
      %dma_wait3A_210 = tpu.memref_squeeze %dma_wait3A_209 : memref<1x1x128xi32, #tpu.memory_space<vmem>> -> memref<128xi32, #tpu.memory_space<vmem>>
      %dma_wait3A_211 = arith.constant 0 : i32
      %dma_wait3A_212 = arith.constant 0 : i32
      %dma_wait3A_213 = tpu.memref_slice %arg8[%dma_wait3A_211, %dma_wait3A_212] : memref<10008x128xf32, #tpu.memory_space<vmem_shared>> -> memref<10008x128xf32, #tpu.memory_space<vmem_shared>>
      tpu.wait_indirect_dma semaphore(%arg11 : memref<!tpu.dma_semaphore, #tpu.memory_space<semaphore_mem>>) src(%dma_wait3A_207 : memref<128x128xf32, #tpu.memory_space<vmem>>) dst(%dma_wait3A_213 : memref<10008x128xf32, #tpu.memory_space<vmem_shared>>)
      %add3A_214 = arith.constant 1 : i32
      %add3A_215 = arith.addi %add3A_187, %add3A_214 : i32
      %dma_wait3A_216 = arith.constant 2 : i32
      %dma_wait3A_217 = arith.constant 0 : i32
      %dma_wait3A_218 = arith.constant 0 : i32
      %dma_wait3A_219 = tpu.memref_slice %arg6[%dma_wait3A_216, %dma_wait3A_217, %dma_wait3A_218] : memref<4x2x128xi32, #tpu.memory_space<vmem>> -> memref<1x2x128xi32, #tpu.memory_space<vmem>>
      %dma_wait3A_220 = tpu.memref_squeeze %dma_wait3A_219 : memref<1x2x128xi32, #tpu.memory_space<vmem>> -> memref<2x128xi32, #tpu.memory_space<vmem>>
      %dma_wait3A_221 = arith.constant 0 : i32
      %dma_wait3A_222 = arith.constant 0 : i32
      %dma_wait3A_223 = tpu.memref_slice %arg4[%arg0, %arg1, %add3A_215, %dma_wait3A_221, %dma_wait3A_222] : memref<2x16x160x2x128xi32, #tpu.memory_space<hbm>> -> memref<1x1x1x2x128xi32, #tpu.memory_space<hbm>>
      %dma_wait3A_224 = tpu.memref_squeeze %dma_wait3A_223 : memref<1x1x1x2x128xi32, #tpu.memory_space<hbm>> -> memref<2x128xi32, #tpu.memory_space<hbm>>
      %dma_wait3A_225 = arith.constant 0 : i32
      %dma_wait3A_226 = arith.constant 0 : i32
      %dma_wait3A_227 = tpu.memref_slice %arg6[%dma_wait3A_216, %dma_wait3A_225, %dma_wait3A_226] : memref<4x2x128xi32, #tpu.memory_space<vmem>> -> memref<1x2x128xi32, #tpu.memory_space<vmem>>
      %dma_wait3A_228 = tpu.memref_squeeze %dma_wait3A_227 : memref<1x2x128xi32, #tpu.memory_space<vmem>> -> memref<2x128xi32, #tpu.memory_space<vmem>>
      %dma_wait3A_229 = arith.constant 0 : i32
      %dma_wait3A_230 = arith.constant 0 : i32
      %dma_wait3A_231 = tpu.memref_slice %arg4[%arg0, %arg1, %add3A_215, %dma_wait3A_229, %dma_wait3A_230] : memref<2x16x160x2x128xi32, #tpu.memory_space<hbm>> -> memref<1x1x1x2x128xi32, #tpu.memory_space<hbm>>
      %dma_wait3A_232 = tpu.memref_squeeze %dma_wait3A_231 : memref<1x1x1x2x128xi32, #tpu.memory_space<hbm>> -> memref<2x128xi32, #tpu.memory_space<hbm>>
      tpu.wait_dma2 semaphore(%arg15 : memref<!tpu.dma_semaphore, #tpu.memory_space<semaphore_mem>>) src(%dma_wait3A_232 : memref<2x128xi32, #tpu.memory_space<hbm>>) dst(%dma_wait3A_228 : memref<2x128xi32, #tpu.memory_space<vmem>>)
      %dma_start3A_233 = arith.constant 2 : i32
      %dma_start3A_234 = arith.constant 0 : i32
      %dma_start3A_235 = arith.constant 0 : i32
      %dma_start3A_236 = arith.constant 0 : i32
      %dma_start3A_237 = arith.constant 0 : i32
      %dma_start3A_238 = tpu.memref_slice %arg7[%dma_start3A_235, %dma_start3A_236, %dma_start3A_237] : memref<2x128x128xf32, #tpu.memory_space<vmem>> -> memref<1x128x128xf32, #tpu.memory_space<vmem>>
      %dma_start3A_239 = tpu.memref_squeeze %dma_start3A_238 : memref<1x128x128xf32, #tpu.memory_space<vmem>> -> memref<128x128xf32, #tpu.memory_space<vmem>>
      %dma_start3A_240 = arith.constant 0 : i32
      %dma_start3A_241 = tpu.memref_slice %arg6[%dma_start3A_233, %dma_start3A_234, %dma_start3A_240] : memref<4x2x128xi32, #tpu.memory_space<vmem>> -> memref<1x1x128xi32, #tpu.memory_space<vmem>>
      %dma_start3A_242 = tpu.memref_squeeze %dma_start3A_241 : memref<1x1x128xi32, #tpu.memory_space<vmem>> -> memref<128xi32, #tpu.memory_space<vmem>>
      %dma_start3A_243 = arith.constant 0 : i32
      %dma_start3A_244 = arith.constant 0 : i32
      %dma_start3A_245 = tpu.memref_slice %arg2[%dma_start3A_243, %dma_start3A_244] : memref<40000x128xf32, #tpu.memory_space<hbm>> -> memref<40000x128xf32, #tpu.memory_space<hbm>>
      tpu.enqueue_indirect_dma source(%dma_start3A_245 : memref<40000x128xf32, #tpu.memory_space<hbm>>) target(%dma_start3A_239 : memref<128x128xf32, #tpu.memory_space<vmem>>) offsets(%dma_start3A_242 : memref<128xi32, #tpu.memory_space<vmem>>) semaphore(%arg9 : memref<!tpu.dma_semaphore, #tpu.memory_space<semaphore_mem>>)
      %dma_start3A_246 = arith.constant 1 : i32
      %dma_start3A_247 = arith.constant 1 : i32
      %dma_start3A_248 = arith.constant 1 : i32
      %dma_start3A_249 = arith.constant 0 : i32
      %dma_start3A_250 = arith.constant 0 : i32
      %dma_start3A_251 = tpu.memref_slice %arg7[%dma_start3A_246, %dma_start3A_249, %dma_start3A_250] : memref<2x128x128xf32, #tpu.memory_space<vmem>> -> memref<1x128x128xf32, #tpu.memory_space<vmem>>
      %dma_start3A_252 = tpu.memref_squeeze %dma_start3A_251 : memref<1x128x128xf32, #tpu.memory_space<vmem>> -> memref<128x128xf32, #tpu.memory_space<vmem>>
      %dma_start3A_253 = arith.constant 0 : i32
      %dma_start3A_254 = tpu.memref_slice %arg6[%dma_start3A_247, %dma_start3A_248, %dma_start3A_253] : memref<4x2x128xi32, #tpu.memory_space<vmem>> -> memref<1x1x128xi32, #tpu.memory_space<vmem>>
      %dma_start3A_255 = tpu.memref_squeeze %dma_start3A_254 : memref<1x1x128xi32, #tpu.memory_space<vmem>> -> memref<128xi32, #tpu.memory_space<vmem>>
      %dma_start3A_256 = arith.constant 0 : i32
      %dma_start3A_257 = arith.constant 0 : i32
      %dma_start3A_258 = tpu.memref_slice %arg8[%dma_start3A_256, %dma_start3A_257] : memref<10008x128xf32, #tpu.memory_space<vmem_shared>> -> memref<10008x128xf32, #tpu.memory_space<vmem_shared>>
      tpu.enqueue_indirect_dma source(%dma_start3A_252 : memref<128x128xf32, #tpu.memory_space<vmem>>) target(%dma_start3A_258 : memref<10008x128xf32, #tpu.memory_space<vmem_shared>>) offsets(%dma_start3A_255 : memref<128xi32, #tpu.memory_space<vmem>>) semaphore(%arg12 : memref<!tpu.dma_semaphore, #tpu.memory_space<semaphore_mem>>) {add = true}
      %add3A_259 = arith.constant 2 : i32
      %add3A_260 = arith.addi %add3A_187, %add3A_259 : i32
      %dma_start3A_261 = arith.constant 3 : i32
      %dma_start3A_262 = arith.constant 0 : i32
      %dma_start3A_263 = arith.constant 0 : i32
      %dma_start3A_264 = tpu.memref_slice %arg6[%dma_start3A_261, %dma_start3A_262, %dma_start3A_263] : memref<4x2x128xi32, #tpu.memory_space<vmem>> -> memref<1x2x128xi32, #tpu.memory_space<vmem>>
      %dma_start3A_265 = tpu.memref_squeeze %dma_start3A_264 : memref<1x2x128xi32, #tpu.memory_space<vmem>> -> memref<2x128xi32, #tpu.memory_space<vmem>>
      %dma_start3A_266 = arith.constant 0 : i32
      %dma_start3A_267 = arith.constant 0 : i32
      %dma_start3A_268 = tpu.memref_slice %arg4[%arg0, %arg1, %add3A_260, %dma_start3A_266, %dma_start3A_267] : memref<2x16x160x2x128xi32, #tpu.memory_space<hbm>> -> memref<1x1x1x2x128xi32, #tpu.memory_space<hbm>>
      %dma_start3A_269 = tpu.memref_squeeze %dma_start3A_268 : memref<1x1x1x2x128xi32, #tpu.memory_space<hbm>> -> memref<2x128xi32, #tpu.memory_space<hbm>>
      %dma_start3A_270 = arith.constant 0 : i32
      %dma_start3A_271 = arith.constant 0 : i32
      %dma_start3A_272 = tpu.memref_slice %arg6[%dma_start3A_261, %dma_start3A_270, %dma_start3A_271] : memref<4x2x128xi32, #tpu.memory_space<vmem>> -> memref<1x2x128xi32, #tpu.memory_space<vmem>>
      %dma_start3A_273 = tpu.memref_squeeze %dma_start3A_272 : memref<1x2x128xi32, #tpu.memory_space<vmem>> -> memref<2x128xi32, #tpu.memory_space<vmem>>
      %dma_start3A_274 = arith.constant 0 : i32
      %dma_start3A_275 = arith.constant 0 : i32
      %dma_start3A_276 = tpu.memref_slice %arg4[%arg0, %arg1, %add3A_260, %dma_start3A_274, %dma_start3A_275] : memref<2x16x160x2x128xi32, #tpu.memory_space<hbm>> -> memref<1x1x1x2x128xi32, #tpu.memory_space<hbm>>
      %dma_start3A_277 = tpu.memref_squeeze %dma_start3A_276 : memref<1x1x1x2x128xi32, #tpu.memory_space<hbm>> -> memref<2x128xi32, #tpu.memory_space<hbm>>
      tpu.enqueue_dma source(%dma_start3A_277 : memref<2x128xi32, #tpu.memory_space<hbm>>) target(%dma_start3A_273 : memref<2x128xi32, #tpu.memory_space<vmem>>) target_semaphore(%arg16 : memref<!tpu.dma_semaphore, #tpu.memory_space<semaphore_mem>>)
      %mul3A_278 = arith.constant 4 : i32
      %mul3A_279 = arith.muli %mul3A_278, %scan3A_98 : i32
      %add3A_280 = arith.constant 2 : i32
      %add3A_281 = arith.addi %mul3A_279, %add3A_280 : i32
      %dma_wait3A_282 = arith.constant 2 : i32
      %dma_wait3A_283 = arith.constant 0 : i32
      %dma_wait3A_284 = arith.constant 0 : i32
      %dma_wait3A_285 = arith.constant 0 : i32
      %dma_wait3A_286 = arith.constant 0 : i32
      %dma_wait3A_287 = tpu.memref_slice %arg7[%dma_wait3A_284, %dma_wait3A_285, %dma_wait3A_286] : memref<2x128x128xf32, #tpu.memory_space<vmem>> -> memref<1x128x128xf32, #tpu.memory_space<vmem>>
      %dma_wait3A_288 = tpu.memref_squeeze %dma_wait3A_287 : memref<1x128x128xf32, #tpu.memory_space<vmem>> -> memref<128x128xf32, #tpu.memory_space<vmem>>
      %dma_wait3A_289 = arith.constant 0 : i32
      %dma_wait3A_290 = tpu.memref_slice %arg6[%dma_wait3A_282, %dma_wait3A_283, %dma_wait3A_289] : memref<4x2x128xi32, #tpu.memory_space<vmem>> -> memref<1x1x128xi32, #tpu.memory_space<vmem>>
      %dma_wait3A_291 = tpu.memref_squeeze %dma_wait3A_290 : memref<1x1x128xi32, #tpu.memory_space<vmem>> -> memref<128xi32, #tpu.memory_space<vmem>>
      %dma_wait3A_292 = arith.constant 0 : i32
      %dma_wait3A_293 = arith.constant 0 : i32
      %dma_wait3A_294 = tpu.memref_slice %arg2[%dma_wait3A_292, %dma_wait3A_293] : memref<40000x128xf32, #tpu.memory_space<hbm>> -> memref<40000x128xf32, #tpu.memory_space<hbm>>
      tpu.wait_indirect_dma semaphore(%arg9 : memref<!tpu.dma_semaphore, #tpu.memory_space<semaphore_mem>>) src(%dma_wait3A_294 : memref<40000x128xf32, #tpu.memory_space<hbm>>) dst(%dma_wait3A_288 : memref<128x128xf32, #tpu.memory_space<vmem>>)
      %dma_wait3A_295 = arith.constant 1 : i32
      %dma_wait3A_296 = arith.constant 1 : i32
      %dma_wait3A_297 = arith.constant 1 : i32
      %dma_wait3A_298 = arith.constant 0 : i32
      %dma_wait3A_299 = arith.constant 0 : i32
      %dma_wait3A_300 = tpu.memref_slice %arg7[%dma_wait3A_295, %dma_wait3A_298, %dma_wait3A_299] : memref<2x128x128xf32, #tpu.memory_space<vmem>> -> memref<1x128x128xf32, #tpu.memory_space<vmem>>
      %dma_wait3A_301 = tpu.memref_squeeze %dma_wait3A_300 : memref<1x128x128xf32, #tpu.memory_space<vmem>> -> memref<128x128xf32, #tpu.memory_space<vmem>>
      %dma_wait3A_302 = arith.constant 0 : i32
      %dma_wait3A_303 = tpu.memref_slice %arg6[%dma_wait3A_296, %dma_wait3A_297, %dma_wait3A_302] : memref<4x2x128xi32, #tpu.memory_space<vmem>> -> memref<1x1x128xi32, #tpu.memory_space<vmem>>
      %dma_wait3A_304 = tpu.memref_squeeze %dma_wait3A_303 : memref<1x1x128xi32, #tpu.memory_space<vmem>> -> memref<128xi32, #tpu.memory_space<vmem>>
      %dma_wait3A_305 = arith.constant 0 : i32
      %dma_wait3A_306 = arith.constant 0 : i32
      %dma_wait3A_307 = tpu.memref_slice %arg8[%dma_wait3A_305, %dma_wait3A_306] : memref<10008x128xf32, #tpu.memory_space<vmem_shared>> -> memref<10008x128xf32, #tpu.memory_space<vmem_shared>>
      tpu.wait_indirect_dma semaphore(%arg12 : memref<!tpu.dma_semaphore, #tpu.memory_space<semaphore_mem>>) src(%dma_wait3A_301 : memref<128x128xf32, #tpu.memory_space<vmem>>) dst(%dma_wait3A_307 : memref<10008x128xf32, #tpu.memory_space<vmem_shared>>)
      %add3A_308 = arith.constant 1 : i32
      %add3A_309 = arith.addi %add3A_281, %add3A_308 : i32
      %dma_wait3A_310 = arith.constant 3 : i32
      %dma_wait3A_311 = arith.constant 0 : i32
      %dma_wait3A_312 = arith.constant 0 : i32
      %dma_wait3A_313 = tpu.memref_slice %arg6[%dma_wait3A_310, %dma_wait3A_311, %dma_wait3A_312] : memref<4x2x128xi32, #tpu.memory_space<vmem>> -> memref<1x2x128xi32, #tpu.memory_space<vmem>>
      %dma_wait3A_314 = tpu.memref_squeeze %dma_wait3A_313 : memref<1x2x128xi32, #tpu.memory_space<vmem>> -> memref<2x128xi32, #tpu.memory_space<vmem>>
      %dma_wait3A_315 = arith.constant 0 : i32
      %dma_wait3A_316 = arith.constant 0 : i32
      %dma_wait3A_317 = tpu.memref_slice %arg4[%arg0, %arg1, %add3A_309, %dma_wait3A_315, %dma_wait3A_316] : memref<2x16x160x2x128xi32, #tpu.memory_space<hbm>> -> memref<1x1x1x2x128xi32, #tpu.memory_space<hbm>>
      %dma_wait3A_318 = tpu.memref_squeeze %dma_wait3A_317 : memref<1x1x1x2x128xi32, #tpu.memory_space<hbm>> -> memref<2x128xi32, #tpu.memory_space<hbm>>
      %dma_wait3A_319 = arith.constant 0 : i32
      %dma_wait3A_320 = arith.constant 0 : i32
      %dma_wait3A_321 = tpu.memref_slice %arg6[%dma_wait3A_310, %dma_wait3A_319, %dma_wait3A_320] : memref<4x2x128xi32, #tpu.memory_space<vmem>> -> memref<1x2x128xi32, #tpu.memory_space<vmem>>
      %dma_wait3A_322 = tpu.memref_squeeze %dma_wait3A_321 : memref<1x2x128xi32, #tpu.memory_space<vmem>> -> memref<2x128xi32, #tpu.memory_space<vmem>>
      %dma_wait3A_323 = arith.constant 0 : i32
      %dma_wait3A_324 = arith.constant 0 : i32
      %dma_wait3A_325 = tpu.memref_slice %arg4[%arg0, %arg1, %add3A_309, %dma_wait3A_323, %dma_wait3A_324] : memref<2x16x160x2x128xi32, #tpu.memory_space<hbm>> -> memref<1x1x1x2x128xi32, #tpu.memory_space<hbm>>
      %dma_wait3A_326 = tpu.memref_squeeze %dma_wait3A_325 : memref<1x1x1x2x128xi32, #tpu.memory_space<hbm>> -> memref<2x128xi32, #tpu.memory_space<hbm>>
      tpu.wait_dma2 semaphore(%arg16 : memref<!tpu.dma_semaphore, #tpu.memory_space<semaphore_mem>>) src(%dma_wait3A_326 : memref<2x128xi32, #tpu.memory_space<hbm>>) dst(%dma_wait3A_322 : memref<2x128xi32, #tpu.memory_space<vmem>>)
      %dma_start3A_327 = arith.constant 3 : i32
      %dma_start3A_328 = arith.constant 0 : i32
      %dma_start3A_329 = arith.constant 1 : i32
      %dma_start3A_330 = arith.constant 0 : i32
      %dma_start3A_331 = arith.constant 0 : i32
      %dma_start3A_332 = tpu.memref_slice %arg7[%dma_start3A_329, %dma_start3A_330, %dma_start3A_331] : memref<2x128x128xf32, #tpu.memory_space<vmem>> -> memref<1x128x128xf32, #tpu.memory_space<vmem>>
      %dma_start3A_333 = tpu.memref_squeeze %dma_start3A_332 : memref<1x128x128xf32, #tpu.memory_space<vmem>> -> memref<128x128xf32, #tpu.memory_space<vmem>>
      %dma_start3A_334 = arith.constant 0 : i32
      %dma_start3A_335 = tpu.memref_slice %arg6[%dma_start3A_327, %dma_start3A_328, %dma_start3A_334] : memref<4x2x128xi32, #tpu.memory_space<vmem>> -> memref<1x1x128xi32, #tpu.memory_space<vmem>>
      %dma_start3A_336 = tpu.memref_squeeze %dma_start3A_335 : memref<1x1x128xi32, #tpu.memory_space<vmem>> -> memref<128xi32, #tpu.memory_space<vmem>>
      %dma_start3A_337 = arith.constant 0 : i32
      %dma_start3A_338 = arith.constant 0 : i32
      %dma_start3A_339 = tpu.memref_slice %arg2[%dma_start3A_337, %dma_start3A_338] : memref<40000x128xf32, #tpu.memory_space<hbm>> -> memref<40000x128xf32, #tpu.memory_space<hbm>>
      tpu.enqueue_indirect_dma source(%dma_start3A_339 : memref<40000x128xf32, #tpu.memory_space<hbm>>) target(%dma_start3A_333 : memref<128x128xf32, #tpu.memory_space<vmem>>) offsets(%dma_start3A_336 : memref<128xi32, #tpu.memory_space<vmem>>) semaphore(%arg10 : memref<!tpu.dma_semaphore, #tpu.memory_space<semaphore_mem>>)
      %dma_start3A_340 = arith.constant 0 : i32
      %dma_start3A_341 = arith.constant 2 : i32
      %dma_start3A_342 = arith.constant 1 : i32
      %dma_start3A_343 = arith.constant 0 : i32
      %dma_start3A_344 = arith.constant 0 : i32
      %dma_start3A_345 = tpu.memref_slice %arg7[%dma_start3A_340, %dma_start3A_343, %dma_start3A_344] : memref<2x128x128xf32, #tpu.memory_space<vmem>> -> memref<1x128x128xf32, #tpu.memory_space<vmem>>
      %dma_start3A_346 = tpu.memref_squeeze %dma_start3A_345 : memref<1x128x128xf32, #tpu.memory_space<vmem>> -> memref<128x128xf32, #tpu.memory_space<vmem>>
      %dma_start3A_347 = arith.constant 0 : i32
      %dma_start3A_348 = tpu.memref_slice %arg6[%dma_start3A_341, %dma_start3A_342, %dma_start3A_347] : memref<4x2x128xi32, #tpu.memory_space<vmem>> -> memref<1x1x128xi32, #tpu.memory_space<vmem>>
      %dma_start3A_349 = tpu.memref_squeeze %dma_start3A_348 : memref<1x1x128xi32, #tpu.memory_space<vmem>> -> memref<128xi32, #tpu.memory_space<vmem>>
      %dma_start3A_350 = arith.constant 0 : i32
      %dma_start3A_351 = arith.constant 0 : i32
      %dma_start3A_352 = tpu.memref_slice %arg8[%dma_start3A_350, %dma_start3A_351] : memref<10008x128xf32, #tpu.memory_space<vmem_shared>> -> memref<10008x128xf32, #tpu.memory_space<vmem_shared>>
      tpu.enqueue_indirect_dma source(%dma_start3A_346 : memref<128x128xf32, #tpu.memory_space<vmem>>) target(%dma_start3A_352 : memref<10008x128xf32, #tpu.memory_space<vmem_shared>>) offsets(%dma_start3A_349 : memref<128xi32, #tpu.memory_space<vmem>>) semaphore(%arg11 : memref<!tpu.dma_semaphore, #tpu.memory_space<semaphore_mem>>) {add = true}
      %le3A = arith.constant 38 : i32
      %le3A_353 = arith.cmpi sle, %scan3A_98, %le3A : i32
      %convert_element_type3A_354 = arith.extui %le3A_353 : i1 to i32
      %cond3A_355 = arith.constant 0 : i32
      %cond3A_356 = arith.cmpi ne, %convert_element_type3A_354, %cond3A_355 : i32
      scf.if %cond3A_356 {
        %add3A_410 = arith.constant 2 : i32
        %add3A_411 = arith.addi %add3A_281, %add3A_410 : i32
        %dma_start3A_412 = arith.constant 0 : i32
        %dma_start3A_413 = arith.constant 0 : i32
        %dma_start3A_414 = arith.constant 0 : i32
        %dma_start3A_415 = tpu.memref_slice %arg6[%dma_start3A_412, %dma_start3A_413, %dma_start3A_414] : memref<4x2x128xi32, #tpu.memory_space<vmem>> -> memref<1x2x128xi32, #tpu.memory_space<vmem>>
        %dma_start3A_416 = tpu.memref_squeeze %dma_start3A_415 : memref<1x2x128xi32, #tpu.memory_space<vmem>> -> memref<2x128xi32, #tpu.memory_space<vmem>>
        %dma_start3A_417 = arith.constant 0 : i32
        %dma_start3A_418 = arith.constant 0 : i32
        %dma_start3A_419 = tpu.memref_slice %arg4[%arg0, %arg1, %add3A_411, %dma_start3A_417, %dma_start3A_418] : memref<2x16x160x2x128xi32, #tpu.memory_space<hbm>> -> memref<1x1x1x2x128xi32, #tpu.memory_space<hbm>>
        %dma_start3A_420 = tpu.memref_squeeze %dma_start3A_419 : memref<1x1x1x2x128xi32, #tpu.memory_space<hbm>> -> memref<2x128xi32, #tpu.memory_space<hbm>>
        %dma_start3A_421 = arith.constant 0 : i32
        %dma_start3A_422 = arith.constant 0 : i32
        %dma_start3A_423 = tpu.memref_slice %arg6[%dma_start3A_412, %dma_start3A_421, %dma_start3A_422] : memref<4x2x128xi32, #tpu.memory_space<vmem>> -> memref<1x2x128xi32, #tpu.memory_space<vmem>>
        %dma_start3A_424 = tpu.memref_squeeze %dma_start3A_423 : memref<1x2x128xi32, #tpu.memory_space<vmem>> -> memref<2x128xi32, #tpu.memory_space<vmem>>
        %dma_start3A_425 = arith.constant 0 : i32
        %dma_start3A_426 = arith.constant 0 : i32
        %dma_start3A_427 = tpu.memref_slice %arg4[%arg0, %arg1, %add3A_411, %dma_start3A_425, %dma_start3A_426] : memref<2x16x160x2x128xi32, #tpu.memory_space<hbm>> -> memref<1x1x1x2x128xi32, #tpu.memory_space<hbm>>
        %dma_start3A_428 = tpu.memref_squeeze %dma_start3A_427 : memref<1x1x1x2x128xi32, #tpu.memory_space<hbm>> -> memref<2x128xi32, #tpu.memory_space<hbm>>
        tpu.enqueue_dma source(%dma_start3A_428 : memref<2x128xi32, #tpu.memory_space<hbm>>) target(%dma_start3A_424 : memref<2x128xi32, #tpu.memory_space<vmem>>) target_semaphore(%arg13 : memref<!tpu.dma_semaphore, #tpu.memory_space<semaphore_mem>>)
      } else {
      }
      %mul3A_357 = arith.constant 4 : i32
      %mul3A_358 = arith.muli %mul3A_357, %scan3A_98 : i32
      %add3A_359 = arith.constant 3 : i32
      %add3A_360 = arith.addi %mul3A_358, %add3A_359 : i32
      %dma_wait3A_361 = arith.constant 3 : i32
      %dma_wait3A_362 = arith.constant 0 : i32
      %dma_wait3A_363 = arith.constant 1 : i32
      %dma_wait3A_364 = arith.constant 0 : i32
      %dma_wait3A_365 = arith.constant 0 : i32
      %dma_wait3A_366 = tpu.memref_slice %arg7[%dma_wait3A_363, %dma_wait3A_364, %dma_wait3A_365] : memref<2x128x128xf32, #tpu.memory_space<vmem>> -> memref<1x128x128xf32, #tpu.memory_space<vmem>>
      %dma_wait3A_367 = tpu.memref_squeeze %dma_wait3A_366 : memref<1x128x128xf32, #tpu.memory_space<vmem>> -> memref<128x128xf32, #tpu.memory_space<vmem>>
      %dma_wait3A_368 = arith.constant 0 : i32
      %dma_wait3A_369 = tpu.memref_slice %arg6[%dma_wait3A_361, %dma_wait3A_362, %dma_wait3A_368] : memref<4x2x128xi32, #tpu.memory_space<vmem>> -> memref<1x1x128xi32, #tpu.memory_space<vmem>>
      %dma_wait3A_370 = tpu.memref_squeeze %dma_wait3A_369 : memref<1x1x128xi32, #tpu.memory_space<vmem>> -> memref<128xi32, #tpu.memory_space<vmem>>
      %dma_wait3A_371 = arith.constant 0 : i32
      %dma_wait3A_372 = arith.constant 0 : i32
      %dma_wait3A_373 = tpu.memref_slice %arg2[%dma_wait3A_371, %dma_wait3A_372] : memref<40000x128xf32, #tpu.memory_space<hbm>> -> memref<40000x128xf32, #tpu.memory_space<hbm>>
      tpu.wait_indirect_dma semaphore(%arg10 : memref<!tpu.dma_semaphore, #tpu.memory_space<semaphore_mem>>) src(%dma_wait3A_373 : memref<40000x128xf32, #tpu.memory_space<hbm>>) dst(%dma_wait3A_367 : memref<128x128xf32, #tpu.memory_space<vmem>>)
      %dma_wait3A_374 = arith.constant 0 : i32
      %dma_wait3A_375 = arith.constant 2 : i32
      %dma_wait3A_376 = arith.constant 1 : i32
      %dma_wait3A_377 = arith.constant 0 : i32
      %dma_wait3A_378 = arith.constant 0 : i32
      %dma_wait3A_379 = tpu.memref_slice %arg7[%dma_wait3A_374, %dma_wait3A_377, %dma_wait3A_378] : memref<2x128x128xf32, #tpu.memory_space<vmem>> -> memref<1x128x128xf32, #tpu.memory_space<vmem>>
      %dma_wait3A_380 = tpu.memref_squeeze %dma_wait3A_379 : memref<1x128x128xf32, #tpu.memory_space<vmem>> -> memref<128x128xf32, #tpu.memory_space<vmem>>
      %dma_wait3A_381 = arith.constant 0 : i32
      %dma_wait3A_382 = tpu.memref_slice %arg6[%dma_wait3A_375, %dma_wait3A_376, %dma_wait3A_381] : memref<4x2x128xi32, #tpu.memory_space<vmem>> -> memref<1x1x128xi32, #tpu.memory_space<vmem>>
      %dma_wait3A_383 = tpu.memref_squeeze %dma_wait3A_382 : memref<1x1x128xi32, #tpu.memory_space<vmem>> -> memref<128xi32, #tpu.memory_space<vmem>>
      %dma_wait3A_384 = arith.constant 0 : i32
      %dma_wait3A_385 = arith.constant 0 : i32
      %dma_wait3A_386 = tpu.memref_slice %arg8[%dma_wait3A_384, %dma_wait3A_385] : memref<10008x128xf32, #tpu.memory_space<vmem_shared>> -> memref<10008x128xf32, #tpu.memory_space<vmem_shared>>
      tpu.wait_indirect_dma semaphore(%arg11 : memref<!tpu.dma_semaphore, #tpu.memory_space<semaphore_mem>>) src(%dma_wait3A_380 : memref<128x128xf32, #tpu.memory_space<vmem>>) dst(%dma_wait3A_386 : memref<10008x128xf32, #tpu.memory_space<vmem_shared>>)
      %le3A_387 = arith.constant 38 : i32
      %le3A_388 = arith.cmpi sle, %scan3A_98, %le3A_387 : i32
      %convert_element_type3A_389 = arith.extui %le3A_388 : i1 to i32
      %cond3A_390 = arith.constant 0 : i32
      %cond3A_391 = arith.cmpi ne, %convert_element_type3A_389, %cond3A_390 : i32
      scf.if %cond3A_391 {
        %add3A_410 = arith.constant 1 : i32
        %add3A_411 = arith.addi %add3A_360, %add3A_410 : i32
        %dma_wait3A_412 = arith.constant 0 : i32
        %dma_wait3A_413 = arith.constant 0 : i32
        %dma_wait3A_414 = arith.constant 0 : i32
        %dma_wait3A_415 = tpu.memref_slice %arg6[%dma_wait3A_412, %dma_wait3A_413, %dma_wait3A_414] : memref<4x2x128xi32, #tpu.memory_space<vmem>> -> memref<1x2x128xi32, #tpu.memory_space<vmem>>
        %dma_wait3A_416 = tpu.memref_squeeze %dma_wait3A_415 : memref<1x2x128xi32, #tpu.memory_space<vmem>> -> memref<2x128xi32, #tpu.memory_space<vmem>>
        %dma_wait3A_417 = arith.constant 0 : i32
        %dma_wait3A_418 = arith.constant 0 : i32
        %dma_wait3A_419 = tpu.memref_slice %arg4[%arg0, %arg1, %add3A_411, %dma_wait3A_417, %dma_wait3A_418] : memref<2x16x160x2x128xi32, #tpu.memory_space<hbm>> -> memref<1x1x1x2x128xi32, #tpu.memory_space<hbm>>
        %dma_wait3A_420 = tpu.memref_squeeze %dma_wait3A_419 : memref<1x1x1x2x128xi32, #tpu.memory_space<hbm>> -> memref<2x128xi32, #tpu.memory_space<hbm>>
        %dma_wait3A_421 = arith.constant 0 : i32
        %dma_wait3A_422 = arith.constant 0 : i32
        %dma_wait3A_423 = tpu.memref_slice %arg6[%dma_wait3A_412, %dma_wait3A_421, %dma_wait3A_422] : memref<4x2x128xi32, #tpu.memory_space<vmem>> -> memref<1x2x128xi32, #tpu.memory_space<vmem>>
        %dma_wait3A_424 = tpu.memref_squeeze %dma_wait3A_423 : memref<1x2x128xi32, #tpu.memory_space<vmem>> -> memref<2x128xi32, #tpu.memory_space<vmem>>
        %dma_wait3A_425 = arith.constant 0 : i32
        %dma_wait3A_426 = arith.constant 0 : i32
        %dma_wait3A_427 = tpu.memref_slice %arg4[%arg0, %arg1, %add3A_411, %dma_wait3A_425, %dma_wait3A_426] : memref<2x16x160x2x128xi32, #tpu.memory_space<hbm>> -> memref<1x1x1x2x128xi32, #tpu.memory_space<hbm>>
        %dma_wait3A_428 = tpu.memref_squeeze %dma_wait3A_427 : memref<1x1x1x2x128xi32, #tpu.memory_space<hbm>> -> memref<2x128xi32, #tpu.memory_space<hbm>>
        tpu.wait_dma2 semaphore(%arg13 : memref<!tpu.dma_semaphore, #tpu.memory_space<semaphore_mem>>) src(%dma_wait3A_428 : memref<2x128xi32, #tpu.memory_space<hbm>>) dst(%dma_wait3A_424 : memref<2x128xi32, #tpu.memory_space<vmem>>)
        %dma_start3A_429 = arith.constant 0 : i32
        %dma_start3A_430 = arith.constant 0 : i32
        %dma_start3A_431 = arith.constant 0 : i32
        %dma_start3A_432 = arith.constant 0 : i32
        %dma_start3A_433 = arith.constant 0 : i32
        %dma_start3A_434 = tpu.memref_slice %arg7[%dma_start3A_431, %dma_start3A_432, %dma_start3A_433] : memref<2x128x128xf32, #tpu.memory_space<vmem>> -> memref<1x128x128xf32, #tpu.memory_space<vmem>>
        %dma_start3A_435 = tpu.memref_squeeze %dma_start3A_434 : memref<1x128x128xf32, #tpu.memory_space<vmem>> -> memref<128x128xf32, #tpu.memory_space<vmem>>
        %dma_start3A_436 = arith.constant 0 : i32
        %dma_start3A_437 = tpu.memref_slice %arg6[%dma_start3A_429, %dma_start3A_430, %dma_start3A_436] : memref<4x2x128xi32, #tpu.memory_space<vmem>> -> memref<1x1x128xi32, #tpu.memory_space<vmem>>
        %dma_start3A_438 = tpu.memref_squeeze %dma_start3A_437 : memref<1x1x128xi32, #tpu.memory_space<vmem>> -> memref<128xi32, #tpu.memory_space<vmem>>
        %dma_start3A_439 = arith.constant 0 : i32
        %dma_start3A_440 = arith.constant 0 : i32
        %dma_start3A_441 = tpu.memref_slice %arg2[%dma_start3A_439, %dma_start3A_440] : memref<40000x128xf32, #tpu.memory_space<hbm>> -> memref<40000x128xf32, #tpu.memory_space<hbm>>
        tpu.enqueue_indirect_dma source(%dma_start3A_441 : memref<40000x128xf32, #tpu.memory_space<hbm>>) target(%dma_start3A_435 : memref<128x128xf32, #tpu.memory_space<vmem>>) offsets(%dma_start3A_438 : memref<128xi32, #tpu.memory_space<vmem>>) semaphore(%arg9 : memref<!tpu.dma_semaphore, #tpu.memory_space<semaphore_mem>>)
      } else {
      }
      %dma_start3A_392 = arith.constant 1 : i32
      %dma_start3A_393 = arith.constant 3 : i32
      %dma_start3A_394 = arith.constant 1 : i32
      %dma_start3A_395 = arith.constant 0 : i32
      %dma_start3A_396 = arith.constant 0 : i32
      %dma_start3A_397 = tpu.memref_slice %arg7[%dma_start3A_392, %dma_start3A_395, %dma_start3A_396] : memref<2x128x128xf32, #tpu.memory_space<vmem>> -> memref<1x128x128xf32, #tpu.memory_space<vmem>>
      %dma_start3A_398 = tpu.memref_squeeze %dma_start3A_397 : memref<1x128x128xf32, #tpu.memory_space<vmem>> -> memref<128x128xf32, #tpu.memory_space<vmem>>
      %dma_start3A_399 = arith.constant 0 : i32
      %dma_start3A_400 = tpu.memref_slice %arg6[%dma_start3A_393, %dma_start3A_394, %dma_start3A_399] : memref<4x2x128xi32, #tpu.memory_space<vmem>> -> memref<1x1x128xi32, #tpu.memory_space<vmem>>
      %dma_start3A_401 = tpu.memref_squeeze %dma_start3A_400 : memref<1x1x128xi32, #tpu.memory_space<vmem>> -> memref<128xi32, #tpu.memory_space<vmem>>
      %dma_start3A_402 = arith.constant 0 : i32
      %dma_start3A_403 = arith.constant 0 : i32
      %dma_start3A_404 = tpu.memref_slice %arg8[%dma_start3A_402, %dma_start3A_403] : memref<10008x128xf32, #tpu.memory_space<vmem_shared>> -> memref<10008x128xf32, #tpu.memory_space<vmem_shared>>
      tpu.enqueue_indirect_dma source(%dma_start3A_398 : memref<128x128xf32, #tpu.memory_space<vmem>>) target(%dma_start3A_404 : memref<10008x128xf32, #tpu.memory_space<vmem_shared>>) offsets(%dma_start3A_401 : memref<128xi32, #tpu.memory_space<vmem>>) semaphore(%arg12 : memref<!tpu.dma_semaphore, #tpu.memory_space<semaphore_mem>>) {add = true}
      %le3A_405 = arith.constant 38 : i32
      %le3A_406 = arith.cmpi sle, %scan3A_98, %le3A_405 : i32
      %convert_element_type3A_407 = arith.extui %le3A_406 : i1 to i32
      %cond3A_408 = arith.constant 0 : i32
      %cond3A_409 = arith.cmpi ne, %convert_element_type3A_407, %cond3A_408 : i32
      scf.if %cond3A_409 {
        %add3A_410 = arith.constant 2 : i32
        %add3A_411 = arith.addi %add3A_360, %add3A_410 : i32
        %dma_start3A_412 = arith.constant 1 : i32
        %dma_start3A_413 = arith.constant 0 : i32
        %dma_start3A_414 = arith.constant 0 : i32
        %dma_start3A_415 = tpu.memref_slice %arg6[%dma_start3A_412, %dma_start3A_413, %dma_start3A_414] : memref<4x2x128xi32, #tpu.memory_space<vmem>> -> memref<1x2x128xi32, #tpu.memory_space<vmem>>
        %dma_start3A_416 = tpu.memref_squeeze %dma_start3A_415 : memref<1x2x128xi32, #tpu.memory_space<vmem>> -> memref<2x128xi32, #tpu.memory_space<vmem>>
        %dma_start3A_417 = arith.constant 0 : i32
        %dma_start3A_418 = arith.constant 0 : i32
        %dma_start3A_419 = tpu.memref_slice %arg4[%arg0, %arg1, %add3A_411, %dma_start3A_417, %dma_start3A_418] : memref<2x16x160x2x128xi32, #tpu.memory_space<hbm>> -> memref<1x1x1x2x128xi32, #tpu.memory_space<hbm>>
        %dma_start3A_420 = tpu.memref_squeeze %dma_start3A_419 : memref<1x1x1x2x128xi32, #tpu.memory_space<hbm>> -> memref<2x128xi32, #tpu.memory_space<hbm>>
        %dma_start3A_421 = arith.constant 0 : i32
        %dma_start3A_422 = arith.constant 0 : i32
        %dma_start3A_423 = tpu.memref_slice %arg6[%dma_start3A_412, %dma_start3A_421, %dma_start3A_422] : memref<4x2x128xi32, #tpu.memory_space<vmem>> -> memref<1x2x128xi32, #tpu.memory_space<vmem>>
        %dma_start3A_424 = tpu.memref_squeeze %dma_start3A_423 : memref<1x2x128xi32, #tpu.memory_space<vmem>> -> memref<2x128xi32, #tpu.memory_space<vmem>>
        %dma_start3A_425 = arith.constant 0 : i32
        %dma_start3A_426 = arith.constant 0 : i32
        %dma_start3A_427 = tpu.memref_slice %arg4[%arg0, %arg1, %add3A_411, %dma_start3A_425, %dma_start3A_426] : memref<2x16x160x2x128xi32, #tpu.memory_space<hbm>> -> memref<1x1x1x2x128xi32, #tpu.memory_space<hbm>>
        %dma_start3A_428 = tpu.memref_squeeze %dma_start3A_427 : memref<1x1x1x2x128xi32, #tpu.memory_space<hbm>> -> memref<2x128xi32, #tpu.memory_space<hbm>>
        tpu.enqueue_dma source(%dma_start3A_428 : memref<2x128xi32, #tpu.memory_space<hbm>>) target(%dma_start3A_424 : memref<2x128xi32, #tpu.memory_space<vmem>>) target_semaphore(%arg14 : memref<!tpu.dma_semaphore, #tpu.memory_space<semaphore_mem>>)
      } else {
      }
    }
    %scan3A_76 = arith.constant 40 : i32
    %dma_wait3A_77 = arith.constant 1 : i32
    %dma_wait3A_78 = arith.constant 3 : i32
    %dma_wait3A_79 = arith.constant 1 : i32
    %dma_wait3A_80 = arith.constant 0 : i32
    %dma_wait3A_81 = arith.constant 0 : i32
    %dma_wait3A_82 = tpu.memref_slice %arg7[%dma_wait3A_77, %dma_wait3A_80, %dma_wait3A_81] : memref<2x128x128xf32, #tpu.memory_space<vmem>> -> memref<1x128x128xf32, #tpu.memory_space<vmem>>
    %dma_wait3A_83 = tpu.memref_squeeze %dma_wait3A_82 : memref<1x128x128xf32, #tpu.memory_space<vmem>> -> memref<128x128xf32, #tpu.memory_space<vmem>>
    %dma_wait3A_84 = arith.constant 0 : i32
    %dma_wait3A_85 = tpu.memref_slice %arg6[%dma_wait3A_78, %dma_wait3A_79, %dma_wait3A_84] : memref<4x2x128xi32, #tpu.memory_space<vmem>> -> memref<1x1x128xi32, #tpu.memory_space<vmem>>
    %dma_wait3A_86 = tpu.memref_squeeze %dma_wait3A_85 : memref<1x1x128xi32, #tpu.memory_space<vmem>> -> memref<128xi32, #tpu.memory_space<vmem>>
    %dma_wait3A_87 = arith.constant 0 : i32
    %dma_wait3A_88 = arith.constant 0 : i32
    %dma_wait3A_89 = tpu.memref_slice %arg8[%dma_wait3A_87, %dma_wait3A_88] : memref<10008x128xf32, #tpu.memory_space<vmem_shared>> -> memref<10008x128xf32, #tpu.memory_space<vmem_shared>>
    tpu.wait_indirect_dma semaphore(%arg12 : memref<!tpu.dma_semaphore, #tpu.memory_space<semaphore_mem>>) src(%dma_wait3A_83 : memref<128x128xf32, #tpu.memory_space<vmem>>) dst(%dma_wait3A_89 : memref<10008x128xf32, #tpu.memory_space<vmem_shared>>)
    %barrier3A_90 = arith.constant 0 : index
    tpu.barrier barrier_id(%barrier3A_90)
    %mul3A_91 = arith.constant 624 : i32
    %mul3A_92 = arith.muli %arg1, %mul3A_91 : i32
    "tpu.region"() ({
      %run_scoped3A = tpu.sem_alloc : memref<!tpu.dma_semaphore, #tpu.memory_space<semaphore_mem>>
      %dma_start3A_98 = arith.constant 0 : i32
      %dma_start3A_99 = tpu.memref_slice %arg5[%add3A, %dma_start3A_98] : memref<20000x128xf32, #tpu.memory_space<hbm>> -> memref<624x128xf32, #tpu.memory_space<hbm>>
      %dma_start3A_100 = arith.constant 0 : i32
      %dma_start3A_101 = tpu.memref_slice %arg8[%mul3A_92, %dma_start3A_100] : memref<10008x128xf32, #tpu.memory_space<vmem_shared>> -> memref<624x128xf32, #tpu.memory_space<vmem_shared>>
      tpu.enqueue_dma source(%dma_start3A_101 : memref<624x128xf32, #tpu.memory_space<vmem_shared>>) target(%dma_start3A_99 : memref<624x128xf32, #tpu.memory_space<hbm>>) target_semaphore(%run_scoped3A : memref<!tpu.dma_semaphore, #tpu.memory_space<semaphore_mem>>)
      %dma_wait3A_102 = arith.constant 0 : i32
      %dma_wait3A_103 = tpu.memref_slice %arg5[%add3A, %dma_wait3A_102] : memref<20000x128xf32, #tpu.memory_space<hbm>> -> memref<624x128xf32, #tpu.memory_space<hbm>>
      %dma_wait3A_104 = arith.constant 0 : i32
      %dma_wait3A_105 = tpu.memref_slice %arg8[%mul3A_92, %dma_wait3A_104] : memref<10008x128xf32, #tpu.memory_space<vmem_shared>> -> memref<624x128xf32, #tpu.memory_space<vmem_shared>>
      tpu.wait_dma2 semaphore(%run_scoped3A : memref<!tpu.dma_semaphore, #tpu.memory_space<semaphore_mem>>) src(%dma_wait3A_105 : memref<624x128xf32, #tpu.memory_space<vmem_shared>>) dst(%dma_wait3A_103 : memref<624x128xf32, #tpu.memory_space<hbm>>)
      tpu.yield
    }) : () -> ()
    %eq3A_93 = arith.constant 15 : i32
    %eq3A_94 = arith.cmpi eq, %arg1, %eq3A_93 : i32
    %convert_element_type3A_95 = arith.extui %eq3A_94 : i1 to i32
    %cond3A_96 = arith.constant 0 : i32
    %cond3A_97 = arith.cmpi ne, %convert_element_type3A_95, %cond3A_96 : i32
    scf.if %cond3A_97 {
      %mul3A_98 = arith.constant 10000 : i32
      %mul3A_99 = arith.muli %arg0, %mul3A_98 : i32
      %add3A_100 = arith.constant 9984 : i32
      %add3A_101 = arith.addi %mul3A_99, %add3A_100 : i32
      "tpu.region"() ({
        %run_scoped3A = tpu.sem_alloc : memref<!tpu.dma_semaphore, #tpu.memory_space<semaphore_mem>>
        %dma_start3A_102 = arith.constant 0 : i32
        %dma_start3A_103 = tpu.memref_slice %arg5[%add3A_101, %dma_start3A_102] : memref<20000x128xf32, #tpu.memory_space<hbm>> -> memref<16x128xf32, #tpu.memory_space<hbm>>
        %dma_start3A_104 = arith.constant 9984 : i32
        %dma_start3A_105 = arith.constant 0 : i32
        %dma_start3A_106 = tpu.memref_slice %arg8[%dma_start3A_104, %dma_start3A_105] : memref<10008x128xf32, #tpu.memory_space<vmem_shared>> -> memref<16x128xf32, #tpu.memory_space<vmem_shared>>
        tpu.enqueue_dma source(%dma_start3A_106 : memref<16x128xf32, #tpu.memory_space<vmem_shared>>) target(%dma_start3A_103 : memref<16x128xf32, #tpu.memory_space<hbm>>) target_semaphore(%run_scoped3A : memref<!tpu.dma_semaphore, #tpu.memory_space<semaphore_mem>>)
        %dma_wait3A_107 = arith.constant 0 : i32
        %dma_wait3A_108 = tpu.memref_slice %arg5[%add3A_101, %dma_wait3A_107] : memref<20000x128xf32, #tpu.memory_space<hbm>> -> memref<16x128xf32, #tpu.memory_space<hbm>>
        %dma_wait3A_109 = arith.constant 9984 : i32
        %dma_wait3A_110 = arith.constant 0 : i32
        %dma_wait3A_111 = tpu.memref_slice %arg8[%dma_wait3A_109, %dma_wait3A_110] : memref<10008x128xf32, #tpu.memory_space<vmem_shared>> -> memref<16x128xf32, #tpu.memory_space<vmem_shared>>
        tpu.wait_dma2 semaphore(%run_scoped3A : memref<!tpu.dma_semaphore, #tpu.memory_space<semaphore_mem>>) src(%dma_wait3A_111 : memref<16x128xf32, #tpu.memory_space<vmem_shared>>) dst(%dma_wait3A_108 : memref<16x128xf32, #tpu.memory_space<hbm>>)
        tpu.yield
      }) : () -> ()
    } else {
    }
    return
  }
}

module attributes {stable_mosaic.version = 14 : i64} {
  func.func @body(%arg0: i32, %arg1: memref<1000x128xf32, #tpu.memory_space<vmem>>, %arg2: memref<1x2x128x128xf32, #tpu.memory_space<vmem>>, %arg3: memref<1x128x128xf32, #tpu.memory_space<vmem>>, %arg4: memref<2x1000x128xf32, #tpu.memory_space<vmem>>, %arg5: memref<1000x128xf32, #tpu.memory_space<vmem>>) attributes {dimension_semantics = [#tpu.dimension_semantics<arbitrary>], iteration_bounds = array<i64: 20>, scalar_prefetch = 0 : i64, scratch_operands = 0 : i64, tpu.core_type = #tpu.core_type<tc>, window_params = [{transform_indices = @transform_0, window_bounds = array<i64: 1000, 128>}, {transform_indices = @transform_1, window_bounds = array<i64: 1, 2, 128, 128>}, {transform_indices = @transform_2, window_bounds = array<i64: 1, 128, 128>}, {transform_indices = @transform_3, window_bounds = array<i64: 2, 1000, 128>}, {transform_indices = @transform_4, window_bounds = array<i64: 1000, 128>}]} {
    %get3A = arith.constant 0 : index
    %get3A_0 = arith.constant 0 : index
    %get3A_1 = vector.load %arg1[%get3A, %get3A_0] : memref<1000x128xf32, #tpu.memory_space<vmem>>, vector<1000x128xf32>
    %convert_element_type3A = arith.truncf %get3A_1 : vector<1000x128xf32> to vector<1000x128xbf16>
    %get3A_2 = arith.constant 0 : index
    %get3A_3 = arith.constant 0 : index
    %get3A_4 = arith.constant 0 : index
    %get3A_5 = arith.constant 0 : index
    %get3A_6 = vector.load %arg2[%get3A_2, %get3A_3, %get3A_4, %get3A_5] : memref<1x2x128x128xf32, #tpu.memory_space<vmem>>, vector<1x1x128x128xf32>
    %get3A_7 = vector.shape_cast %get3A_6 : vector<1x1x128x128xf32> to vector<128x128xf32>
    %convert_element_type3A_8 = arith.truncf %get3A_7 : vector<128x128xf32> to vector<128x128xbf16>
    %dot_general3A = arith.constant dense<0.000000e+00> : vector<1000x128xf32>
    %dot_general3A_9 = tpu.matmul %convert_element_type3A, %convert_element_type3A_8, %dot_general3A {dimension_numbers = #tpu.dot_dimension_numbers<[1], [0], [0], [1], [0, 0, 1, 1], [], []>, transpose_lhs_hint = false} : vector<1000x128xbf16>, vector<128x128xbf16>, vector<1000x128xf32> -> vector<1000x128xf32>
    %swap3A = arith.constant 0 : index
    %swap3A_10 = arith.constant 0 : index
    %swap3A_11 = arith.constant 0 : index
    %swap3A_12 = vector.load %arg4[%swap3A, %swap3A_10, %swap3A_11] : memref<2x1000x128xf32, #tpu.memory_space<vmem>>, vector<1x1000x128xf32>
    %swap3A_13 = vector.shape_cast %swap3A_12 : vector<1x1000x128xf32> to vector<1000x128xf32>
    %swap3A_14 = vector.shape_cast %dot_general3A_9 : vector<1000x128xf32> to vector<1x1000x128xf32>
    tpu.vector_store %arg4[%swap3A, %swap3A_10, %swap3A_11], %swap3A_14 {strides = array<i32>} : memref<2x1000x128xf32, #tpu.memory_space<vmem>>, vector<1x1000x128xf32>,
    %get3A_15 = arith.constant 0 : index
    %get3A_16 = arith.constant 1 : index
    %get3A_17 = arith.constant 0 : index
    %get3A_18 = arith.constant 0 : index
    %get3A_19 = vector.load %arg2[%get3A_15, %get3A_16, %get3A_17, %get3A_18] : memref<1x2x128x128xf32, #tpu.memory_space<vmem>>, vector<1x1x128x128xf32>
    %get3A_20 = vector.shape_cast %get3A_19 : vector<1x1x128x128xf32> to vector<128x128xf32>
    %convert_element_type3A_21 = arith.truncf %get3A_20 : vector<128x128xf32> to vector<128x128xbf16>
    %dot_general3A_22 = arith.constant dense<0.000000e+00> : vector<1000x128xf32>
    %dot_general3A_23 = tpu.matmul %convert_element_type3A, %convert_element_type3A_21, %dot_general3A_22 {dimension_numbers = #tpu.dot_dimension_numbers<[1], [0], [0], [1], [0, 0, 1, 1], [], []>, transpose_lhs_hint = false} : vector<1000x128xbf16>, vector<128x128xbf16>, vector<1000x128xf32> -> vector<1000x128xf32>
    %swap3A_24 = arith.constant 1 : index
    %swap3A_25 = arith.constant 0 : index
    %swap3A_26 = arith.constant 0 : index
    %swap3A_27 = vector.load %arg4[%swap3A_24, %swap3A_25, %swap3A_26] : memref<2x1000x128xf32, #tpu.memory_space<vmem>>, vector<1x1000x128xf32>
    %swap3A_28 = vector.shape_cast %swap3A_27 : vector<1x1000x128xf32> to vector<1000x128xf32>
    %swap3A_29 = vector.shape_cast %dot_general3A_23 : vector<1000x128xf32> to vector<1x1000x128xf32>
    tpu.vector_store %arg4[%swap3A_24, %swap3A_25, %swap3A_26], %swap3A_29 {strides = array<i32>} : memref<2x1000x128xf32, #tpu.memory_space<vmem>>, vector<1x1000x128xf32>,
    %get3A_30 = arith.constant 0 : index
    %get3A_31 = arith.constant 0 : index
    %get3A_32 = arith.constant 0 : index
    %get3A_33 = vector.load %arg3[%get3A_30, %get3A_31, %get3A_32] : memref<1x128x128xf32, #tpu.memory_space<vmem>>, vector<1x128x128xf32>
    %get3A_34 = vector.shape_cast %get3A_33 : vector<1x128x128xf32> to vector<128x128xf32>
    %convert_element_type3A_35 = arith.truncf %get3A_34 : vector<128x128xf32> to vector<128x128xbf16>
    %dot_general3A_36 = arith.constant dense<0.000000e+00> : vector<1000x128xf32>
    %dot_general3A_37 = tpu.matmul %convert_element_type3A, %convert_element_type3A_35, %dot_general3A_36 {dimension_numbers = #tpu.dot_dimension_numbers<[1], [0], [0], [1], [0, 0, 1, 1], [], []>, transpose_lhs_hint = false} : vector<1000x128xbf16>, vector<128x128xbf16>, vector<1000x128xf32> -> vector<1000x128xf32>
    %swap3A_38 = arith.constant 0 : index
    %swap3A_39 = arith.constant 0 : index
    %swap3A_40 = vector.load %arg5[%swap3A_38, %swap3A_39] : memref<1000x128xf32, #tpu.memory_space<vmem>>, vector<1000x128xf32>
    tpu.vector_store %arg5[%swap3A_38, %swap3A_39], %dot_general3A_37 {strides = array<i32>} : memref<1000x128xf32, #tpu.memory_space<vmem>>, vector<1000x128xf32>,
    return
  }
  func.func @transform_0(%arg0: i32) -> (i32, i32) {
    %c0_i32 = arith.constant 0 : i32
    %c0_i32_0 = arith.constant 0 : i32
    return %arg0, %c0_i32 : i32, i32
  }
  func.func @transform_1(%arg0: i32) -> (i32, i32, i32, i32) {
    %jit3A = arith.constant 10 : i32
    %div3A = arith.divsi %arg0, %jit3A : i32
    %sign3A = arith.constant 0 : i32
    %sign3A_0 = arith.cmpi sgt, %arg0, %sign3A : i32
    %sign3A_1 = arith.extui %sign3A_0 : i1 to i32
    %sign3A_2 = arith.constant 0 : i32
    %sign3A_3 = arith.cmpi slt, %arg0, %sign3A_2 : i32
    %sign3A_4 = arith.extui %sign3A_3 : i1 to i32
    %sign3A_5 = arith.subi %sign3A_1, %sign3A_4 : i32
    %sign3A_6 = arith.constant 0 : i32
    %sign3A_7 = arith.cmpi sgt, %jit3A, %sign3A_6 : i32
    %sign3A_8 = arith.extui %sign3A_7 : i1 to i32
    %sign3A_9 = arith.constant 0 : i32
    %sign3A_10 = arith.cmpi slt, %jit3A, %sign3A_9 : i32
    %sign3A_11 = arith.extui %sign3A_10 : i1 to i32
    %sign3A_12 = arith.subi %sign3A_8, %sign3A_11 : i32
    %ne3A = arith.cmpi ne, %sign3A_5, %sign3A_12 : i32
    %rem3A = arith.remsi %arg0, %jit3A : i32
    %ne3A_13 = arith.constant 0 : i32
    %ne3A_14 = arith.cmpi ne, %rem3A, %ne3A_13 : i32
    %and3A = arith.andi %ne3A, %ne3A_14 : i1
    %sub3A = arith.constant 1 : i32
    %sub3A_15 = arith.subi %div3A, %sub3A : i32
    %select_n3A = arith.select %and3A, %sub3A_15, %div3A : i32
    %c0_i32 = arith.constant 0 : i32
    %c0_i32_16 = arith.constant 0 : i32
    %c0_i32_17 = arith.constant 0 : i32
    %c0_i32_18 = arith.constant 0 : i32
    return %select_n3A, %c0_i32, %c0_i32_16, %c0_i32_17 : i32, i32, i32, i32
  }
  func.func @transform_2(%arg0: i32) -> (i32, i32, i32) {
    %jit3A = arith.constant 10 : i32
    %div3A = arith.divsi %arg0, %jit3A : i32
    %sign3A = arith.constant 0 : i32
    %sign3A_0 = arith.cmpi sgt, %arg0, %sign3A : i32
    %sign3A_1 = arith.extui %sign3A_0 : i1 to i32
    %sign3A_2 = arith.constant 0 : i32
    %sign3A_3 = arith.cmpi slt, %arg0, %sign3A_2 : i32
    %sign3A_4 = arith.extui %sign3A_3 : i1 to i32
    %sign3A_5 = arith.subi %sign3A_1, %sign3A_4 : i32
    %sign3A_6 = arith.constant 0 : i32
    %sign3A_7 = arith.cmpi sgt, %jit3A, %sign3A_6 : i32
    %sign3A_8 = arith.extui %sign3A_7 : i1 to i32
    %sign3A_9 = arith.constant 0 : i32
    %sign3A_10 = arith.cmpi slt, %jit3A, %sign3A_9 : i32
    %sign3A_11 = arith.extui %sign3A_10 : i1 to i32
    %sign3A_12 = arith.subi %sign3A_8, %sign3A_11 : i32
    %ne3A = arith.cmpi ne, %sign3A_5, %sign3A_12 : i32
    %rem3A = arith.remsi %arg0, %jit3A : i32
    %ne3A_13 = arith.constant 0 : i32
    %ne3A_14 = arith.cmpi ne, %rem3A, %ne3A_13 : i32
    %and3A = arith.andi %ne3A, %ne3A_14 : i1
    %sub3A = arith.constant 1 : i32
    %sub3A_15 = arith.subi %div3A, %sub3A : i32
    %select_n3A = arith.select %and3A, %sub3A_15, %div3A : i32
    %c0_i32 = arith.constant 0 : i32
    %c0_i32_16 = arith.constant 0 : i32
    %c0_i32_17 = arith.constant 0 : i32
    return %select_n3A, %c0_i32, %c0_i32_16 : i32, i32, i32
  }
  func.func @transform_3(%arg0: i32) -> (i32, i32, i32) {
    %c0_i32 = arith.constant 0 : i32
    %c0_i32_0 = arith.constant 0 : i32
    %c0_i32_1 = arith.constant 0 : i32
    return %c0_i32, %arg0, %c0_i32_0 : i32, i32, i32
  }
  func.func @transform_4(%arg0: i32) -> (i32, i32) {
    %c0_i32 = arith.constant 0 : i32
    %c0_i32_0 = arith.constant 0 : i32
    return %arg0, %c0_i32 : i32, i32
  }
}

module attributes {stable_mosaic.version = 14 : i64} {
  func.func @body(%arg0: i32, %arg1: memref<1000x128xf32, #tpu.memory_space<vmem>>, %arg2: memref<1x2x128x128xf32, #tpu.memory_space<vmem>>, %arg3: memref<1x128x128xf32, #tpu.memory_space<vmem>>, %arg4: memref<1000x128xf32, #tpu.memory_space<vmem>>, %arg5: memref<2x1000x128xf32, #tpu.memory_space<vmem>>, %arg6: memref<1000x128xf32, #tpu.memory_space<vmem>>) attributes {dimension_semantics = [#tpu.dimension_semantics<arbitrary>], iteration_bounds = array<i64: 20>, scalar_prefetch = 0 : i64, scratch_operands = 0 : i64, tpu.core_type = #tpu.core_type<tc>, window_params = [{transform_indices = @transform_0, window_bounds = array<i64: 1000, 128>}, {transform_indices = @transform_1, window_bounds = array<i64: 1, 2, 128, 128>}, {transform_indices = @transform_2, window_bounds = array<i64: 1, 128, 128>}, {transform_indices = @transform_3, window_bounds = array<i64: 1000, 128>}, {transform_indices = @transform_4, window_bounds = array<i64: 2, 1000, 128>}, {transform_indices = @transform_5, window_bounds = array<i64: 1000, 128>}]} {
    %get3A = arith.constant 0 : index
    %get3A_0 = arith.constant 0 : index
    %get3A_1 = vector.load %arg1[%get3A, %get3A_0] : memref<1000x128xf32, #tpu.memory_space<vmem>>, vector<1000x128xf32>
    %max3A = arith.constant 0.000000e+00 : f32
    %max3A_2 = vector.broadcast %max3A : f32 to vector<1000x128xf32>
    %max3A_3 = arith.maximumf %get3A_1, %max3A_2 : vector<1000x128xf32>
    %convert_element_type3A = arith.truncf %max3A_3 : vector<1000x128xf32> to vector<1000x128xbf16>
    %get3A_4 = arith.constant 0 : index
    %get3A_5 = arith.constant 0 : index
    %get3A_6 = arith.constant 0 : index
    %get3A_7 = arith.constant 0 : index
    %get3A_8 = vector.load %arg2[%get3A_4, %get3A_5, %get3A_6, %get3A_7] : memref<1x2x128x128xf32, #tpu.memory_space<vmem>>, vector<1x1x128x128xf32>
    %get3A_9 = vector.shape_cast %get3A_8 : vector<1x1x128x128xf32> to vector<128x128xf32>
    %convert_element_type3A_10 = arith.truncf %get3A_9 : vector<128x128xf32> to vector<128x128xbf16>
    %dot_general3A = arith.constant dense<0.000000e+00> : vector<1000x128xf32>
    %dot_general3A_11 = tpu.matmul %convert_element_type3A, %convert_element_type3A_10, %dot_general3A {dimension_numbers = #tpu.dot_dimension_numbers<[1], [0], [0], [1], [0, 0, 1, 1], [], []>, transpose_lhs_hint = false} : vector<1000x128xbf16>, vector<128x128xbf16>, vector<1000x128xf32> -> vector<1000x128xf32>
    %swap3A = arith.constant 0 : index
    %swap3A_12 = arith.constant 0 : index
    %swap3A_13 = arith.constant 0 : index
    %swap3A_14 = vector.load %arg5[%swap3A, %swap3A_12, %swap3A_13] : memref<2x1000x128xf32, #tpu.memory_space<vmem>>, vector<1x1000x128xf32>
    %swap3A_15 = vector.shape_cast %swap3A_14 : vector<1x1000x128xf32> to vector<1000x128xf32>
    %swap3A_16 = vector.shape_cast %dot_general3A_11 : vector<1000x128xf32> to vector<1x1000x128xf32>
    tpu.vector_store %arg5[%swap3A, %swap3A_12, %swap3A_13], %swap3A_16 {strides = array<i32>} : memref<2x1000x128xf32, #tpu.memory_space<vmem>>, vector<1x1000x128xf32>,
    %get3A_17 = arith.constant 0 : index
    %get3A_18 = arith.constant 1 : index
    %get3A_19 = arith.constant 0 : index
    %get3A_20 = arith.constant 0 : index
    %get3A_21 = vector.load %arg2[%get3A_17, %get3A_18, %get3A_19, %get3A_20] : memref<1x2x128x128xf32, #tpu.memory_space<vmem>>, vector<1x1x128x128xf32>
    %get3A_22 = vector.shape_cast %get3A_21 : vector<1x1x128x128xf32> to vector<128x128xf32>
    %convert_element_type3A_23 = arith.truncf %get3A_22 : vector<128x128xf32> to vector<128x128xbf16>
    %dot_general3A_24 = arith.constant dense<0.000000e+00> : vector<1000x128xf32>
    %dot_general3A_25 = tpu.matmul %convert_element_type3A, %convert_element_type3A_23, %dot_general3A_24 {dimension_numbers = #tpu.dot_dimension_numbers<[1], [0], [0], [1], [0, 0, 1, 1], [], []>, transpose_lhs_hint = false} : vector<1000x128xbf16>, vector<128x128xbf16>, vector<1000x128xf32> -> vector<1000x128xf32>
    %swap3A_26 = arith.constant 1 : index
    %swap3A_27 = arith.constant 0 : index
    %swap3A_28 = arith.constant 0 : index
    %swap3A_29 = vector.load %arg5[%swap3A_26, %swap3A_27, %swap3A_28] : memref<2x1000x128xf32, #tpu.memory_space<vmem>>, vector<1x1000x128xf32>
    %swap3A_30 = vector.shape_cast %swap3A_29 : vector<1x1000x128xf32> to vector<1000x128xf32>
    %swap3A_31 = vector.shape_cast %dot_general3A_25 : vector<1000x128xf32> to vector<1x1000x128xf32>
    tpu.vector_store %arg5[%swap3A_26, %swap3A_27, %swap3A_28], %swap3A_31 {strides = array<i32>} : memref<2x1000x128xf32, #tpu.memory_space<vmem>>, vector<1x1000x128xf32>,
    %get3A_32 = arith.constant 0 : index
    %get3A_33 = arith.constant 0 : index
    %get3A_34 = arith.constant 0 : index
    %get3A_35 = vector.load %arg3[%get3A_32, %get3A_33, %get3A_34] : memref<1x128x128xf32, #tpu.memory_space<vmem>>, vector<1x128x128xf32>
    %get3A_36 = vector.shape_cast %get3A_35 : vector<1x128x128xf32> to vector<128x128xf32>
    %convert_element_type3A_37 = arith.truncf %get3A_36 : vector<128x128xf32> to vector<128x128xbf16>
    %dot_general3A_38 = arith.constant dense<0.000000e+00> : vector<1000x128xf32>
    %dot_general3A_39 = tpu.matmul %convert_element_type3A, %convert_element_type3A_37, %dot_general3A_38 {dimension_numbers = #tpu.dot_dimension_numbers<[1], [0], [0], [1], [0, 0, 1, 1], [], []>, transpose_lhs_hint = false} : vector<1000x128xbf16>, vector<128x128xbf16>, vector<1000x128xf32> -> vector<1000x128xf32>
    %get3A_40 = arith.constant 0 : index
    %get3A_41 = arith.constant 0 : index
    %get3A_42 = vector.load %arg4[%get3A_40, %get3A_41] : memref<1000x128xf32, #tpu.memory_space<vmem>>, vector<1000x128xf32>
    %add3A = arith.addf %dot_general3A_39, %get3A_42 : vector<1000x128xf32>
    %swap3A_43 = arith.constant 0 : index
    %swap3A_44 = arith.constant 0 : index
    %swap3A_45 = vector.load %arg6[%swap3A_43, %swap3A_44] : memref<1000x128xf32, #tpu.memory_space<vmem>>, vector<1000x128xf32>
    tpu.vector_store %arg6[%swap3A_43, %swap3A_44], %add3A {strides = array<i32>} : memref<1000x128xf32, #tpu.memory_space<vmem>>, vector<1000x128xf32>,
    return
  }
  func.func @transform_0(%arg0: i32) -> (i32, i32) {
    %c0_i32 = arith.constant 0 : i32
    %c0_i32_0 = arith.constant 0 : i32
    return %arg0, %c0_i32 : i32, i32
  }
  func.func @transform_1(%arg0: i32) -> (i32, i32, i32, i32) {
    %jit3A = arith.constant 10 : i32
    %div3A = arith.divsi %arg0, %jit3A : i32
    %sign3A = arith.constant 0 : i32
    %sign3A_0 = arith.cmpi sgt, %arg0, %sign3A : i32
    %sign3A_1 = arith.extui %sign3A_0 : i1 to i32
    %sign3A_2 = arith.constant 0 : i32
    %sign3A_3 = arith.cmpi slt, %arg0, %sign3A_2 : i32
    %sign3A_4 = arith.extui %sign3A_3 : i1 to i32
    %sign3A_5 = arith.subi %sign3A_1, %sign3A_4 : i32
    %sign3A_6 = arith.constant 0 : i32
    %sign3A_7 = arith.cmpi sgt, %jit3A, %sign3A_6 : i32
    %sign3A_8 = arith.extui %sign3A_7 : i1 to i32
    %sign3A_9 = arith.constant 0 : i32
    %sign3A_10 = arith.cmpi slt, %jit3A, %sign3A_9 : i32
    %sign3A_11 = arith.extui %sign3A_10 : i1 to i32
    %sign3A_12 = arith.subi %sign3A_8, %sign3A_11 : i32
    %ne3A = arith.cmpi ne, %sign3A_5, %sign3A_12 : i32
    %rem3A = arith.remsi %arg0, %jit3A : i32
    %ne3A_13 = arith.constant 0 : i32
    %ne3A_14 = arith.cmpi ne, %rem3A, %ne3A_13 : i32
    %and3A = arith.andi %ne3A, %ne3A_14 : i1
    %sub3A = arith.constant 1 : i32
    %sub3A_15 = arith.subi %div3A, %sub3A : i32
    %select_n3A = arith.select %and3A, %sub3A_15, %div3A : i32
    %c0_i32 = arith.constant 0 : i32
    %c0_i32_16 = arith.constant 0 : i32
    %c0_i32_17 = arith.constant 0 : i32
    %c0_i32_18 = arith.constant 0 : i32
    return %select_n3A, %c0_i32, %c0_i32_16, %c0_i32_17 : i32, i32, i32, i32
  }
  func.func @transform_2(%arg0: i32) -> (i32, i32, i32) {
    %jit3A = arith.constant 10 : i32
    %div3A = arith.divsi %arg0, %jit3A : i32
    %sign3A = arith.constant 0 : i32
    %sign3A_0 = arith.cmpi sgt, %arg0, %sign3A : i32
    %sign3A_1 = arith.extui %sign3A_0 : i1 to i32
    %sign3A_2 = arith.constant 0 : i32
    %sign3A_3 = arith.cmpi slt, %arg0, %sign3A_2 : i32
    %sign3A_4 = arith.extui %sign3A_3 : i1 to i32
    %sign3A_5 = arith.subi %sign3A_1, %sign3A_4 : i32
    %sign3A_6 = arith.constant 0 : i32
    %sign3A_7 = arith.cmpi sgt, %jit3A, %sign3A_6 : i32
    %sign3A_8 = arith.extui %sign3A_7 : i1 to i32
    %sign3A_9 = arith.constant 0 : i32
    %sign3A_10 = arith.cmpi slt, %jit3A, %sign3A_9 : i32
    %sign3A_11 = arith.extui %sign3A_10 : i1 to i32
    %sign3A_12 = arith.subi %sign3A_8, %sign3A_11 : i32
    %ne3A = arith.cmpi ne, %sign3A_5, %sign3A_12 : i32
    %rem3A = arith.remsi %arg0, %jit3A : i32
    %ne3A_13 = arith.constant 0 : i32
    %ne3A_14 = arith.cmpi ne, %rem3A, %ne3A_13 : i32
    %and3A = arith.andi %ne3A, %ne3A_14 : i1
    %sub3A = arith.constant 1 : i32
    %sub3A_15 = arith.subi %div3A, %sub3A : i32
    %select_n3A = arith.select %and3A, %sub3A_15, %div3A : i32
    %c0_i32 = arith.constant 0 : i32
    %c0_i32_16 = arith.constant 0 : i32
    %c0_i32_17 = arith.constant 0 : i32
    return %select_n3A, %c0_i32, %c0_i32_16 : i32, i32, i32
  }
  func.func @transform_3(%arg0: i32) -> (i32, i32) {
    %c0_i32 = arith.constant 0 : i32
    %c0_i32_0 = arith.constant 0 : i32
    return %arg0, %c0_i32 : i32, i32
  }
  func.func @transform_4(%arg0: i32) -> (i32, i32, i32) {
    %c0_i32 = arith.constant 0 : i32
    %c0_i32_0 = arith.constant 0 : i32
    %c0_i32_1 = arith.constant 0 : i32
    return %c0_i32, %arg0, %c0_i32_0 : i32, i32, i32
  }
  func.func @transform_5(%arg0: i32) -> (i32, i32) {
    %c0_i32 = arith.constant 0 : i32
    %c0_i32_0 = arith.constant 0 : i32
    return %arg0, %c0_i32 : i32, i32
  }
}

module attributes {stable_mosaic.version = 14 : i64} {
  func.func @body(%arg0: i32, %arg1: memref<1000x128xf32, #tpu.memory_space<vmem>>, %arg2: memref<1000x128xf32, #tpu.memory_space<vmem>>) attributes {dimension_semantics = [#tpu.dimension_semantics<arbitrary>], iteration_bounds = array<i64: 20>, scalar_prefetch = 0 : i64, scratch_operands = 0 : i64, tpu.core_type = #tpu.core_type<tc>, window_params = [{transform_indices = @transform_0, window_bounds = array<i64: 1000, 128>}, {transform_indices = @transform_1, window_bounds = array<i64: 1000, 128>}]} {
    %get3A = arith.constant 0 : index
    %get3A_0 = arith.constant 0 : index
    %get3A_1 = vector.load %arg1[%get3A, %get3A_0] : memref<1000x128xf32, #tpu.memory_space<vmem>>, vector<1000x128xf32>
    %max3A = arith.constant 0.000000e+00 : f32
    %max3A_2 = vector.broadcast %max3A : f32 to vector<1000x128xf32>
    %max3A_3 = arith.maximumf %get3A_1, %max3A_2 : vector<1000x128xf32>
    %swap3A = arith.constant 0 : index
    %swap3A_4 = arith.constant 0 : index
    %swap3A_5 = vector.load %arg2[%swap3A, %swap3A_4] : memref<1000x128xf32, #tpu.memory_space<vmem>>, vector<1000x128xf32>
    tpu.vector_store %arg2[%swap3A, %swap3A_4], %max3A_3 {strides = array<i32>} : memref<1000x128xf32, #tpu.memory_space<vmem>>, vector<1000x128xf32>,
    return
  }
  func.func @transform_0(%arg0: i32) -> (i32, i32) {
    %c0_i32 = arith.constant 0 : i32
    %c0_i32_0 = arith.constant 0 : i32
    return %arg0, %c0_i32 : i32, i32
  }
  func.func @transform_1(%arg0: i32) -> (i32, i32) {
    %c0_i32 = arith.constant 0 : i32
    %c0_i32_0 = arith.constant 0 : i32
    return %arg0, %c0_i32 : i32, i32
  }
}

</mosaic_0001>

<sc_bundles>
// kernel: kernel.10.cloned.1.call-start
scs
__scs_entry_jumppad:
0x0: {  	(pc) =	sbr.rel $0x88, $3  }
0x1: {  	(tag) =	ssettag $0x0;
	lr =	simm.s32 $0x1  }
0x2: {  	[smem:$0x3F90] =	sst lr;
	_ =	strace $0xD0000000  }
0x3: {  	_ = 	snop  }
0x4: {  	_ = 	snop  }
0x5: {  	_ = 	snop  }
0x6: {  	_ = 	snop  }
0x7: {  	_ = 	snop  }
__scs_overlays_trampoline_lowered:
0x8: {  	[smem:$0x3F9F] =	sst s0  }
0x9: {  	[smem:$0x3FA0] =	sst s1  }
0xa: {  	[smem:$0x3FA1] =	sst s2  }
0xb: {  	[smem:$0x3FA2] =	sst s3  }
0xc: {  	[smem:$0x3FA3] =	sst s4  }
0xd: {  	[smem:$0x3FA4] =	sst s5  }
0xe: {  	[smem:$0x3FA5] =	sst s6  }
0xf: {  	[smem:$0x3FA6] =	sst s7  }
0x10: {  	[smem:$0x3FA7] =	sst s8  }
0x11: {  	[smem:$0x3FA8] =	sst s9;
	s0 =	simm.s32 @!p0 $0x0  }
0x12: {  	s1 =	sld [smem:$0x3F8E];
	s0 =	simm.s32 @p0 $0x1  }
0x13: {  	[smem:$0x3FA9] =	sst s0;
	s0 =	simm.s32 @!p1 $0x0  }
0x14: {  	s2 =	sld [smem:$0x3F8D];
	s0 =	simm.s32 @p1 $0x1  }
0x15: {  	[smem:$0x3FAA] =	sst s0;
	s0 =	simm.s32 @!p2 $0x0  }
0x16: {  	s3 =	sld [smem:$0x3FDB];
	s0 =	simm.s32 @p2 $0x1  }
0x17: {  	s4 =	simm.s32 $0x1BF5;
	[smem:$0x3FAC] =	sst s0  }
0x18: {  	s0 =	sld [smem:$0x3F8F];
	_ =	swait.ge [sflag:s4], $0x0  }
0x19: {  	s7 =	sld [smem:$0x3F90]  }
0x1a: {  	s8 =	sadd.s32 $0xFFFFE003, lr  }
0x1b: {  	s9 =	sadd.s32 $0xFFFFFEF7, lr;
	s5 =	simm.s32 $0xFFFFFFFF;
	p2 =	slt.u32 s8, $0xFFFFF086  }
0x1c: {  	p1 =	slt.u32 s9, $0xF7A;
	s5 =	simm.s32 @!p2 $0x0  }
0x1d: {  	s5 =	simm.s32 @p1 $0x1;
	p0 =	seq.s32 s7, s2  }
0x1e: {  	s7 =	smul.u32 @!p0 $0xF7A, s2;
	p2 =	seq.s32 @!p0 s5, $0x0  }
0x1f: {  	s9 =	smul.u32 $0xF7A, s1;
	s8 =	simm.s32 @!p0 $0x1BF5;
	p2 =	por !p2, p0  }
0x20: {  	[sflag:s8] =	ssyncset.s32 @!p0 $0xFFFFF086;
	s6 =	sadd.s32 @!p0 s3, s7;
	s7 =	simm.s32 @!p0 $0x108  }
0x21: {  	s3 =	sadd.s32 s3, s9;
	s6 =	sadd.s32 @!p0 $0x88, s6;
	s7 =	simm.s32 @p2 $0x1082  }
0x22: {  	[simem:s7], [sflag:s8] =	dma.local @!p0 [hbm:s6], $0xF7A  }
0x23: {  	s9 =	sor.u32 $0xD0000000, s2;
	s6 =	simm.s32 $0x108;
	_ =	swait.ge @!p0 [sflag:s8], $0x0  }
0x24: {  	s3 =	sadd.s32 $0x88, s3;
	s6 =	simm.s32 @!p1 $0x1082;
	[sflag:s4] =	ssyncset.s32 $0xFFFFF086  }
0x25: {  	[simem:s6], [sflag:s4] =	dma.local [hbm:s3], $0xF7A  }
0x26: {  	[smem:$0x3F90] =	sst s1;
	(tag) =	ssettag s2;
	_ =	strace s9  }
0x27: {  	s1 =	sld [smem:$0x3FA0]  }
0x28: {  	s2 =	sld [smem:$0x3FA1]  }
0x29: {  	s4 =	sld [smem:$0x3FA3]  }
0x2a: {  	p0 =	seq.s32 s5, $0x0;
	s5 =	sld [smem:$0x3FA4]  }
0x2b: {  	s6 =	sld [smem:$0x3FA5]  }
0x2c: {  	s7 =	sld [smem:$0x3FA6]  }
0x2d: {  	s3 =	simm.s32 $0x108;
	s8 =	sld [smem:$0x3FA7]  }
0x2e: {  	s3 =	simm.s32 @!p0 $0x1082;
	s9 =	sld [smem:$0x3FA8]  }
0x2f: {  	lr =	sadd.s32 s0, s3;
	s0 =	sld [smem:$0x3F9F]  }
0x30: {  	s3 =	sld [smem:$0x3FA2]  }
0x31: {  	[smem:$0x3FAB] =	sst s10  }
0x32: {  	s10 =	sld [smem:$0x3FA9];
	_ =	sdelay $0x3  }
0x33: {  	p0 =	seq.s32 s10, $0x1;
	s10 =	sld [smem:$0x3FAB];
	_ =	sdelay $0x3  }
0x34: {  	[smem:$0x3FAB] =	sst s10  }
0x35: {  	s10 =	sld [smem:$0x3FAA];
	_ =	sdelay $0x3  }
0x36: {  	p1 =	seq.s32 s10, $0x1;
	s10 =	sld [smem:$0x3FAB];
	_ =	sdelay $0x3  }
0x37: {  	[smem:$0x3FAB] =	sst s10  }
0x38: {  	s10 =	sld [smem:$0x3FAC]  }
0x39: {  	_ = 	snop;
	(pc) =	sbr.ind lr, $3  }
0x3a: {  	_ = 	snop  }
0x3b: {  	_ = 	snop  }
0x3c: {  	p2 =	seq.s32 s10, $0x1;
	s10 =	sld [smem:$0x3FAB]  }
0x3d: {  	_ =	shalt  }
0x3e: {  	_ =	shalt  }
0x3f: {  	_ =	shalt  }
0x40: {  	_ =	shalt  }
0x41: {  	_ =	shalt  }
0x42: {  	_ =	shalt  }
0x43: {  	_ =	shalt  }
0x44: {  	_ =	shalt  }
0x45: {  	_ =	shalt  }
0x46: {  	_ =	shalt  }
0x47: {  	_ =	shalt  }
0x48: {  	_ =	shalt  }
0x49: {  	_ =	shalt  }
0x4a: {  	_ =	shalt  }
0x4b: {  	_ =	shalt  }
0x4c: {  	_ =	shalt  }
0x4d: {  	_ =	shalt  }
0x4e: {  	_ =	shalt  }
0x4f: {  	_ =	shalt  }
0x50: {  	_ =	shalt  }
0x51: {  	_ =	shalt  }
0x52: {  	_ =	shalt  }
0x53: {  	_ =	shalt  }
0x54: {  	_ =	shalt  }
0x55: {  	_ =	shalt  }
0x56: {  	_ =	shalt  }
0x57: {  	_ =	shalt  }
0x58: {  	_ =	shalt  }
0x59: {  	_ =	shalt  }
0x5a: {  	_ =	shalt  }
0x5b: {  	_ =	shalt  }
0x5c: {  	_ =	shalt  }
0x5d: {  	_ =	shalt  }
0x5e: {  	_ =	shalt  }
0x5f: {  	_ =	shalt  }
0x60: {  	_ =	shalt  }
0x61: {  	_ =	shalt  }
0x62: {  	_ =	shalt  }
0x63: {  	_ =	shalt  }
0x64: {  	_ =	shalt  }
0x65: {  	_ =	shalt  }
0x66: {  	_ =	shalt  }
0x67: {  	_ =	shalt  }
0x68: {  	_ =	shalt  }
0x69: {  	_ =	shalt  }
0x6a: {  	_ =	shalt  }
0x6b: {  	_ =	shalt  }
0x6c: {  	_ =	shalt  }
0x6d: {  	_ =	shalt  }
0x6e: {  	_ =	shalt  }
0x6f: {  	_ =	shalt  }
0x70: {  	_ =	shalt  }
0x71: {  	_ =	shalt  }
0x72: {  	_ =	shalt  }
0x73: {  	_ =	shalt  }
0x74: {  	_ =	shalt  }
0x75: {  	_ =	shalt  }
0x76: {  	_ =	shalt  }
0x77: {  	_ =	shalt  }
0x78: {  	_ =	shalt  }
0x79: {  	_ =	shalt  }
0x7a: {  	_ =	shalt  }
0x7b: {  	_ =	shalt  }
0x7c: {  	_ =	shalt  }
0x7d: {  	_ =	shalt  }
0x7e: {  	_ =	shalt  }
0x7f: {  	_ =	shalt  }
0x80: {  	_ =	shalt  }
0x81: {  	_ =	shalt  }
0x82: {  	_ =	shalt  }
0x83: {  	_ =	shalt  }
0x84: {  	_ =	shalt  }
0x85: {  	_ =	shalt  }
0x86: {  	_ =	shalt  }
0x87: {  	_ =	shalt  }
.Lfunc_end0:
.L_simem_size_0:
called_computation.1_lowered:
.L_overlay_start_0:
0x88: {  	s2 =	sld [smem:$0x3FD9]  }
0x89: {  	s3 =	sld [smem:$0x3FFE];
	_ =	sdelay $0x1  }
0x8a: {  	s1 =	srdreg.scid  }
0x8b: {  	s0 =	sand.u32 $0x1, s1  }
0x8c: {  	s16 =	sshll.u32 s0, $0xA;
	s2 =	sadd.s32 s3, s2  }
0x8d: {  	s2 =	sadd.s32 s2, s16  }
0x8e: {  	[smem:$0x3FB7] =	sst s2  }
0x8f: {  	_ = 	snop  }
0x90: {  	(tm) =	ssettm $0x1  }
0x91: {  	s17 =	sld [smem:$0x3FFB];
	_ =	sdelay $0x3  }
0x92: {  	_ =	strace s17  }
0x93: {  	s2 =	sld [smem:$0x3FFC];
	_ =	sdelay $0x3  }
0x94: {  	_ =	strace s2  }
0x95: {  	s2 =	sld [smem:$0x3FFD];
	_ =	sdelay $0x3  }
0x96: {  	_ =	strace s2  }
0x97: {  	_ =	strace $0x8FFFFFFF  }
0x98: {  	s18 =	sld [smem:$0x3FDB];
	_ =	sdelay $0x1  }
0x99: {  	s19 =	simm.s32 $_scs_section_size  }
0x9a: {  	s4 =	simm.s32 $_size__tile_overlayer_lowered;
	s5 =	simm.s32 $_tile_overlayer_lowered  }
0x9b: {  	s22 =	simm.s32 $0x1BFF;
	s21 =	sshll.u32 s5, $0x1;
	s2 =	sadd.s32 s19, s18  }
0x9c: {  	s6 =	simm.s32 $0x0;
	s20 =	sshll.u32 s4, $0x1;
	s4 =	sadd.s32 s21, s2  }
0x9d: {  	[timem:s6], [sflag:s22] =	dma.local [hbm:s4], s20  }
0x9e: {  	_ =	swait.ge [sflag:s22], s20  }
0x9f: {  	s3 =	ssub.s32 $0x0, s20;
	[sflag:s22] =	ssyncset.done $0x0  }
0xa0: {  	[sflag:s22] =	ssyncadd.s32 s3;
	_ =	sdelay $0x1  }
0xa1: {  	s23 =	simm.s32 $0x1B8B  }
0xa2: {  	_ =	swait.ge [sflag:s23], $0x1  }
0xa3: {  	[sflag:s23] =	ssyncset.done $0x0  }
0xa4: {  	s25 =	simm.s32 $0x1B8E;
	s24 =	sld [smem:$0x3FFE];
	[sflag:s23] =	ssyncadd.s32 $0xFFFFFFFF  }
0xa5: {  	s26 =	simm.s32 $execute0_lowered;
	[smem:$0x3FD2] =	sst s25  }
0xa6: {  	s4 =	sshll.u32 s26, $0x1;
	_ =	strace $0x80000049;
	[dreg:$0x1] =	wrdreg $0xFFFFFFFF  }
0xa7: {  	s28 =	simm.s32 $_size_execute0_lowered;
	s2 =	sadd.s32 s2, s4;
	[dreg:$0x0] =	wrdreg $0x0  }
0xa8: {  	s4 =	sshll.u32 s28, $0x1;
	[dreg:$0x2] =	wrdreg s2  }
0xa9: {  	[dreg:$0x3] =	wrdreg s4  }
0xaa: {  	[dreg:$0x4] =	wrdreg $0xC0  }
0xab: {  	_ =	task [dreg:s6], $0x5FFFF  }
0xac: {  	[dreg:$0x1] =	wrdreg $0xFFFFFFFF  }
0xad: {  	[dreg:$0x0] =	wrdreg $0x60  }
0xae: {  	[dreg:$0x2] =	wrdreg s24  }
0xaf: {  	[dreg:$0x3] =	wrdreg $0x84000  }
0xb0: {  	[dreg:$0x4] =	wrdreg $0x9  }
0xb1: {  	_ =	task.clear_ibuf [dreg:s6], $0x5FFFF;
	_ =	strace $0x90000049  }
0xb2: {  	s29 =	simm.s32 $0x9;
	_ =	strace $0x8000004B  }
0xb3: {  	_ =	swait.ge [sflag:s29], $0x1  }
0xb4: {  	[sflag:s29] =	ssyncadd.s32 $0xFFFFFFFF  }
0xb5: {  	_ =	strace $0x9000004B  }
0xb6: {  	_ =	sfence  }
0xb7: {  	s30 =	sld [smem:$0x0];
	_ =	sdelay $0x2  }
0xb8: {  	s31 =	sshll.u32 s1, $0xD;
	s1 =	sshrl.u32 s1, $0x2  }
0xb9: {  	s3 =	sand.u32 $0x4000, s31;
	s1 =	sadd.s32 s1, s30  }
0xba: {  	s0 =	sor.u32 s3, s0;
	s1 =	sshll.u32 s1, $0x11  }
0xbb: {  	s0 =	sor.u32 s1, s0  }
0xbc: {  	s0 =	sadd.s32 $0x8F2B, s0  }
0xbd: {  	[sflag:s0] =	ssyncadd.remote.s32 $0x1  }
0xbe: {  	_ =	sfence.sel $0xFFFF  }
0xbf: {  	[dreg:$0x0] =	wrdreg $0xFFFFFFFF;
	(pc) =	sbr.abs _section_cstart, $3  }
0xc0: {  	[dreg:$0x1] =	wrdreg $0xFFFFFFFF  }
0xc1: {  	_ =	task.clear_ibuf [dreg:s6], $0x2FFFF;
	_ =	strace $0x9FFFFFFF  }
0xc2: {  	(tm) =	ssettm $0x7FFFFFFF  }
0xc3: {  	_ =	shalt  }
tec
execute0_lowered:
.L_overlay_start_1:
0x0: {  	(tag) =	ssettag $0x1  }
0x1: {  	s0 =	rddreg [dreg:$0x0]  }
0x2: {  	s1 =	rddreg [dreg:$0x1];
	s3 =	simm.s32 $0x0  }
0x3: {  	s2 =	srdreg.scid;
	s17 =	stileid.u32;
	s28 =	simm.s32 $0x200  }
0x4: {  	s29 =	simm.s32 $0x2;
	s30 =	simm.s32 $0x3;
	s31 =	simm.s32 $0x7  }
0x5: {  	[smem:$0x7FF] =	sst s3;
	s4 =	sadd.s32 $0x7A000, s0;
	s5 =	smul.u32 $0x4E000, s17  }
0x6: {  	s2 =	sand.u32 $0x1, s2;
	s7 =	sadd.s32 $0x2BE00, s0;
	s11 =	smul.u32 $0x270, s17  }
0x7: {  	s9 =	sadd.s32 $0x3E00, s0;
	s0 =	sadd.s32 $0x116400, s0;
	s13 =	smul.u32 $0xA000, s17  }
0x8: {  	s14 =	sshll.u32 s17, $0x6;
	s19 =	sadd.s32 $0x138000, s1;
	s8 =	smul.u32 $0x2710, s2  }
0x9: {  	p0 =	sne.s32 s17, $0xF;
	s6 =	ssub.s32 $0x2, s2;
	s26 =	smul.u32 $0xA0000, s2  }
0xa: {  	_ =	strace $0x8000004A;
	s2 =	smul.u32 $0x138800, s2;
	s10 =	sshrl.u32 s6, $0x1  }
0xb: {  	s19 =	sshrl.u32 @!p0 s19, $0x3;
	s5 =	sshrl.u32 s5, $0x2;
	s10 =	ssub.s32 s6, s10  }
0xc: {  	s8 =	sadd.s32 s11, s8;
	s5 =	sadd.s32 s5, s1;
	s11 =	sadd.s32 s13, s26  }
0xd: {  	s6 =	sor.u32 $0x1C09, s14;
	s2 =	sshrl.u32 s2, $0x3;
	s8 =	sshll.u32 s8, $0x4  }
0xe: {  	s15 =	sshrl.u32 s11, $0x3;
	s2 =	sadd.s32 $0x27000, s2;
	s18 =	sor.u32 $0x500, s11  }
0xf: {  	s21 =	smax.u32 s10, $0x1;
	s22 =	sor.u32 $0x400, s11;
	s23 =	sor.u32 $0x300, s11  }
0x10: {  	s24 =	sor.u32 $0x200, s11;
	s17 =	sshrl.u32 s5, $0x3;
	s5 =	simm.s32 $0x4  }
0x11: {  	s10 =	simm.s32 $0x380;
	s12 =	sadd.s32 s7, s8;
	s7 =	sadd.s32 s7, s2  }
0x12: {  	s8 =	sadd.s32 s0, s8;
	s0 =	sadd.s32 s0, s2;
	s20 =	sshrl.u32 s18, $0x3  }
0x13: {  	[dreg:$0x9] =	wrdreg s21;
	s25 =	sshrl.u32 s23, $0x3;
	s26 =	sshrl.u32 s24, $0x3  }
0x14: {  	s18 =	simm.s32 $0x9;
	s21 =	simm.s32 $0x5;
	[dreg:$0x3] =	wrdreg s12  }
0x15: {  	s23 =	simm.s32 $0x400;
	s24 =	simm.s32 $0x1;
	[dreg:$0x5] =	wrdreg s7  }
0x16: {  	s2 =	simm.s32 $0x300;
	s12 =	sadd.s32 s9, s15;
	[dreg:$0x7] =	wrdreg s8  }
0x17: {  	[dreg:$0x8] =	wrdreg s0;
	s13 =	sadd.s32 s20, s9;
	s0 =	sshrl.u32 s22, $0x3  }
.Ltmp0:
0x18: {  	s15 =	sadd.s32 s25, s9;
	s20 =	simm.s32 $0x100;
	(pc) =	sbr.rel .LBB2_1-.Ltmp0, $4  }
0x19: {  	s22 =	simm.s32 $0x80;
	s25 =	simm.s32 $0x6;
	s8 =	simm.s32 $0x8  }
0x1a: {  	s7 =	simm.s32 $0x0;
	[dreg:$0x4] =	wrdreg s12;
	s16 =	sadd.s32 $0x20, s12  }
0x1b: {  	s14 =	sadd.s32 s0, s9;
	s0 =	simm.s32 $0x180;
	[dreg:$0x6] =	wrdreg s16  }
0x1c: {  	s16 =	sadd.s32 s26, s9;
	s26 =	simm.s32 $0x4400;
	s9 =	simm.s32 $0x280  }
.LBB2_4:
0x1d: {  	_ =	swait.ge [sflag:s29], $0x4000  }
0x1e: {  	[sflag:s29] =	ssyncset.done $0x0  }
0x1f: {  	[sflag:s29] =	ssyncadd.s32 $0xFFFFC000  }
0x20: {  	_ =	swait.ge [sflag:s30], $0x4000  }
0x21: {  	[sflag:s30] =	ssyncset.done $0x0  }
0x22: {  	[sflag:s30] =	ssyncadd.s32 $0xFFFFC000  }
0x23: {  	[spmem:s1] =	stream.indirect.scatter.add.f32 [tilespmem:s26], [sflag:$0x4], $0x80, s10, s22, $0xb8;
	[tilespmem:$0x1BCC0] =	vst v63  }
0x24: {  	_ =	swait.ge [sflag:s5], $0x4000  }
0x25: {  	[sflag:s5] =	ssyncset.done $0x0  }
0x26: {  	[sflag:s5] =	ssyncadd.s32 $0xFFFFC000  }
0x27: {  	[bflag:$0x0] =	sbarrier.arrive $0xFFFF  }
0x28: {  	s11 =	rddreg [dreg:$0x7]  }
0x29: {  	[hbm:s11], [sflag:s6] =	dma.local [spmem:s17], $0x2700  }
0x2a: {  	_ =	swait.ge [sflag:s18], $0x2700  }
0x2b: {  	[sflag:s18] =	ssyncset.done $0x0  }
0x2c: {  	s11 =	rddreg [dreg:$0x8];
	[sflag:s18] =	ssyncadd.s32 $0xFFFFD900  }
0x2d: {  	[hbm:s11], [sflag:s6] =	dma.local @!p0 [spmem:s19], $0x100  }
0x2e: {  	s11 =	simm.s32 @!p0 $0x9  }
0x2f: {  	_ =	swait.ge @!p0 [sflag:s11], $0x100  }
0x30: {  	s7 =	sadd.s32 $0x1, s7;
	s12 =	rddreg [dreg:$0x9]  }
0x31: {  	p1 =	sne.s32 s7, s12  }
.Ltmp1:
0x32: {  	_ = 	snop;
	(pc) =	sbr.rel @!p1 .LBB2_5-.Ltmp1, $3  }
0x33: {  	_ =	sdelay $0x1  }
0x34: {  	[sflag:s11] =	ssyncset.done @!p0 $0x0  }
0x35: {  	[sflag:s11] =	ssyncadd.s32 @!p0 $0xFFFFFF00  }
.LBB2_1:
0x36: {  	s11 =	rddreg [dreg:$0x3]  }
0x37: {  	[spmem:s17], [sflag:s6] =	dma.local [hbm:s11], $0x2700  }
0x38: {  	_ =	swait.ge [sflag:s18], $0x2700  }
0x39: {  	[sflag:s18] =	ssyncset.done $0x0  }
0x3a: {  	s11 =	rddreg [dreg:$0x5];
	[sflag:s18] =	ssyncadd.s32 $0xFFFFD900  }
0x3b: {  	[spmem:s19], [sflag:s6] =	dma.local @!p0 [hbm:s11], $0x100  }
0x3c: {  	s11 =	simm.s32 @!p0 $0x9  }
0x3d: {  	_ =	swait.ge @!p0 [sflag:s11], $0x100  }
0x3e: {  	[sflag:s11] =	ssyncset.done @!p0 $0x0  }
0x3f: {  	[sflag:s11] =	ssyncadd.s32 @!p0 $0xFFFFFF00  }
0x40: {  	[bflag:$0x0] =	sbarrier.arrive $0xFFFF  }
0x41: {  	s12 =	rddreg [dreg:$0x4]  }
0x42: {  	[tilespmem:s3], [sflag:$0x5] =	stream.linear.gather [hbm4b:s12+s3], $0x100, $0x38;
	[tilespmem:$0x1BCC0] =	vst v63  }
0x43: {  	s12 =	rddreg [dreg:$0x6]  }
0x44: {  	[tilespmem:s20], [sflag:$0x6] =	stream.linear.gather [hbm4b:s12+s3], $0x100, $0x38;
	[tilespmem:$0x1BCC0] =	vst v63  }
0x45: {  	_ =	swait.ge [sflag:s21], $0x100  }
0x46: {  	[sflag:s21] =	ssyncset.done $0x0  }
0x47: {  	s11 =	simm.s32 $0x0;
	[sflag:s21] =	ssyncadd.s32 $0xFFFFFF00  }
0x48: {  	[tilespmem:s23], [sflag:$0x1] =	stream.indirect.gather [hbm4b:s4+s22], $0x80, s3, s22, $0xb8;
	[tilespmem:$0x1BCC0] =	vst v63  }
.LBB2_2:
0x49: {  	_ =	swait.ge [sflag:s24], $0x4000  }
0x4a: {  	p1 =	seq.s32 s11, $0x0;
	[sflag:s24] =	ssyncset.done $0x0  }
0x4b: {  	s12 =	simm.s32 @!p1 $0x4;
	[sflag:s24] =	ssyncadd.s32 $0xFFFFC000  }
0x4c: {  	_ =	swait.ge @!p1 [sflag:s12], $0x4000  }
0x4d: {  	[sflag:s12] =	ssyncset.done @!p1 $0x0  }
0x4e: {  	[sflag:s12] =	ssyncadd.s32 @!p1 $0xFFFFC000  }
0x4f: {  	_ =	swait.ge [sflag:s25], $0x100  }
0x50: {  	[sflag:s25] =	ssyncset.done $0x0  }
0x51: {  	[sflag:s25] =	ssyncadd.s32 $0xFFFFFF00  }
0x52: {  	[tilespmem:s26], [sflag:$0x2] =	stream.indirect.gather [hbm4b:s4+s22], $0x80, s20, s22, $0xb8;
	[tilespmem:$0x1BCC0] =	vst v63  }
0x53: {  	_ = 	snop  }
0x54: {  	[spmem:s1] =	stream.indirect.scatter.add.f32 [tilespmem:s23], [sflag:$0x3], $0x80, s22, s22, $0xb8;
	[tilespmem:$0x1BCC0] =	vst v63  }
0x55: {  	s12 =	sadd.s32 s11, s16  }
0x56: {  	[tilespmem:s28], [sflag:$0x7] =	stream.linear.gather [hbm4b:s12+s3], $0x100, $0x38;
	[tilespmem:$0x1BCC0] =	vst v63  }
0x57: {  	_ =	swait.ge [sflag:s29], $0x4000  }
0x58: {  	[sflag:s29] =	ssyncset.done $0x0  }
0x59: {  	[sflag:s29] =	ssyncadd.s32 $0xFFFFC000  }
0x5a: {  	_ =	swait.ge [sflag:s30], $0x4000  }
0x5b: {  	[sflag:s30] =	ssyncset.done $0x0  }
0x5c: {  	[sflag:s30] =	ssyncadd.s32 $0xFFFFC000  }
0x5d: {  	_ =	swait.ge [sflag:s31], $0x100  }
0x5e: {  	[sflag:s31] =	ssyncset.done $0x0  }
0x5f: {  	[sflag:s31] =	ssyncadd.s32 $0xFFFFFF00  }
0x60: {  	[tilespmem:s23], [sflag:$0x1] =	stream.indirect.gather [hbm4b:s4+s22], $0x80, s28, s22, $0xb8;
	[tilespmem:$0x1BCC0] =	vst v63  }
0x61: {  	_ = 	snop  }
0x62: {  	[spmem:s1] =	stream.indirect.scatter.add.f32 [tilespmem:s26], [sflag:$0x4], $0x80, s0, s22, $0xb8;
	[tilespmem:$0x1BCC0] =	vst v63  }
0x63: {  	s12 =	sadd.s32 s11, s15  }
0x64: {  	[tilespmem:s2], [sflag:$0x8] =	stream.linear.gather [hbm4b:s12+s3], $0x100, $0x38;
	[tilespmem:$0x1BCC0] =	vst v63  }
0x65: {  	_ =	swait.ge [sflag:s24], $0x4000  }
0x66: {  	[sflag:s24] =	ssyncset.done $0x0  }
0x67: {  	[sflag:s24] =	ssyncadd.s32 $0xFFFFC000  }
0x68: {  	_ =	swait.ge [sflag:s5], $0x4000  }
0x69: {  	[sflag:s5] =	ssyncset.done $0x0  }
0x6a: {  	[sflag:s5] =	ssyncadd.s32 $0xFFFFC000  }
0x6b: {  	p1 =	seq.s32 s11, $0x1380;
	_ =	swait.ge [sflag:s8], $0x100  }
.Ltmp2:
0x6c: {  	[sflag:s8] =	ssyncset.done $0x0;
	(pc) =	sbr.rel @p1 .LBB2_4-.Ltmp2, $4  }
0x6d: {  	[sflag:s8] =	ssyncadd.s32 $0xFFFFFF00  }
0x6e: {  	[tilespmem:s26], [sflag:$0x2] =	stream.indirect.gather [hbm4b:s4+s22], $0x80, s2, s22, $0xb8;
	[tilespmem:$0x1BCC0] =	vst v63  }
0x6f: {  	_ = 	snop  }
0x70: {  	[spmem:s1] =	stream.indirect.scatter.add.f32 [tilespmem:s23], [sflag:$0x3], $0x80, s9, s22, $0xb8;
	[tilespmem:$0x1BCC0] =	vst v63  }
0x71: {  	s12 =	sadd.s32 s11, s14  }
0x72: {  	[tilespmem:s3], [sflag:$0x5] =	stream.linear.gather [hbm4b:s12+s3], $0x100, $0x38;
	[tilespmem:$0x1BCC0] =	vst v63  }
0x73: {  	_ =	swait.ge [sflag:s29], $0x4000  }
0x74: {  	[sflag:s29] =	ssyncset.done $0x0  }
0x75: {  	[sflag:s29] =	ssyncadd.s32 $0xFFFFC000  }
0x76: {  	_ =	swait.ge [sflag:s30], $0x4000  }
0x77: {  	[sflag:s30] =	ssyncset.done $0x0  }
0x78: {  	[sflag:s30] =	ssyncadd.s32 $0xFFFFC000  }
0x79: {  	_ =	swait.ge [sflag:s21], $0x100  }
0x7a: {  	[sflag:s21] =	ssyncset.done $0x0  }
0x7b: {  	[sflag:s21] =	ssyncadd.s32 $0xFFFFFF00  }
0x7c: {  	[tilespmem:s23], [sflag:$0x1] =	stream.indirect.gather [hbm4b:s4+s22], $0x80, s3, s22, $0xb8;
	[tilespmem:$0x1BCC0] =	vst v63  }
.Ltmp3:
0x7d: {  	_ = 	snop;
	(pc) =	sbr.rel .LBB2_2-.Ltmp3, $4  }
0x7e: {  	_ = 	snop  }
0x7f: {  	[spmem:s1] =	stream.indirect.scatter.add.f32 [tilespmem:s26], [sflag:$0x4], $0x80, s10, s22, $0xb8;
	[tilespmem:$0x1BCC0] =	vst v63  }
0x80: {  	s12 =	sadd.s32 s11, s13;
	s11 =	sadd.s32 $0x80, s11  }
0x81: {  	[tilespmem:s20], [sflag:$0x6] =	stream.linear.gather [hbm4b:s12+s3], $0x100, $0x38;
	[tilespmem:$0x1BCC0] =	vst v63  }
.LBB2_5:
0x82: {  	_ =	sfence.sel $0x180000  }
0x83: {  	[bflag:$0x0] =	sbarrier.arrive $0xFFFF  }
0x84: {  	_ =	strace $0x9000004A  }
0x85: {  	s0 =	stileid.u32;
	[bflag:$0x2] =	sbarrier.arrive $0xFFFF  }
0x86: {  	p0 =	sne.s32 s0, $0x0;
	s0 =	rddreg [dreg:$0x2]  }
0x87: {  	s0 =	sadd.s32 @!p0 $0x100000, s0  }
0x88: {  	[sflag:s0] =	ssyncadd.tile.s32 @!p0 $0x1;
	_ =	shalt  }
.Lfunc_end2:
_tile_overlayer_lowered:
.L_overlay_start_2:
0x89: {  	(tag) =	ssettag $0x2  }
0x8a: {  	s0 =	rddreg [dreg:$0x0];
	s2 =	stileid.u32  }
0x8b: {  	s1 =	rddreg [dreg:$0x1];
	p0 =	sne.s32 s2, $0x0  }
0x8c: {  	s3 =	rddreg [dreg:$0x2];
	[bflag:$0x3] =	sbarrier.arrive $0xFFFF;
	s2 =	simm.s32 @!p0 $0x1C09  }
0x8d: {  	[timem:s3], [sflag:s2] =	dma.local @!p0 [hbm:s0], s1  }
0x8e: {  	s0 =	simm.s32 @!p0 $0x9  }
0x8f: {  	_ =	swait.ge @!p0 [sflag:s0], s1  }
0x90: {  	s1 =	ssub.s32 @!p0 $0x0, s1;
	[sflag:s0] =	ssyncset.done @!p0 $0x0  }
0x91: {  	[sflag:s0] =	ssyncadd.s32 @!p0 s1  }
0x92: {  	[bflag:$0x3] =	sbarrier.arrive $0xFFFF  }
0x93: {  	_ =	shalt  }

// kernel: kernel.7.cloned.1.call-start
scs
__scs_entry_jumppad:
0x0: {  	(pc) =	sbr.rel $0x88, $3  }
0x1: {  	(tag) =	ssettag $0x0;
	lr =	simm.s32 $0x1  }
0x2: {  	[smem:$0x3F90] =	sst lr;
	_ =	strace $0xD0000000  }
0x3: {  	_ = 	snop  }
0x4: {  	_ = 	snop  }
0x5: {  	_ = 	snop  }
0x6: {  	_ = 	snop  }
0x7: {  	_ = 	snop  }
__scs_overlays_trampoline_lowered:
0x8: {  	[smem:$0x3F9F] =	sst s0  }
0x9: {  	[smem:$0x3FA0] =	sst s1  }
0xa: {  	[smem:$0x3FA1] =	sst s2  }
0xb: {  	[smem:$0x3FA2] =	sst s3  }
0xc: {  	[smem:$0x3FA3] =	sst s4  }
0xd: {  	[smem:$0x3FA4] =	sst s5  }
0xe: {  	[smem:$0x3FA5] =	sst s6  }
0xf: {  	[smem:$0x3FA6] =	sst s7  }
0x10: {  	[smem:$0x3FA7] =	sst s8  }
0x11: {  	[smem:$0x3FA8] =	sst s9;
	s0 =	simm.s32 @!p0 $0x0  }
0x12: {  	s1 =	sld [smem:$0x3F8E];
	s0 =	simm.s32 @p0 $0x1  }
0x13: {  	[smem:$0x3FA9] =	sst s0;
	s0 =	simm.s32 @!p1 $0x0  }
0x14: {  	s2 =	sld [smem:$0x3F8D];
	s0 =	simm.s32 @p1 $0x1  }
0x15: {  	[smem:$0x3FAA] =	sst s0;
	s0 =	simm.s32 @!p2 $0x0  }
0x16: {  	s3 =	sld [smem:$0x3FDB];
	s0 =	simm.s32 @p2 $0x1  }
0x17: {  	s4 =	simm.s32 $0x1BF5;
	[smem:$0x3FAC] =	sst s0  }
0x18: {  	s0 =	sld [smem:$0x3F8F];
	_ =	swait.ge [sflag:s4], $0x0  }
0x19: {  	s7 =	sld [smem:$0x3F90]  }
0x1a: {  	s8 =	sadd.s32 $0xFFFFE003, lr  }
0x1b: {  	s9 =	sadd.s32 $0xFFFFFEF7, lr;
	s5 =	simm.s32 $0xFFFFFFFF;
	p2 =	slt.u32 s8, $0xFFFFF086  }
0x1c: {  	p1 =	slt.u32 s9, $0xF7A;
	s5 =	simm.s32 @!p2 $0x0  }
0x1d: {  	s5 =	simm.s32 @p1 $0x1;
	p0 =	seq.s32 s7, s2  }
0x1e: {  	s7 =	smul.u32 @!p0 $0xF7A, s2;
	p2 =	seq.s32 @!p0 s5, $0x0  }
0x1f: {  	s9 =	smul.u32 $0xF7A, s1;
	s8 =	simm.s32 @!p0 $0x1BF5;
	p2 =	por !p2, p0  }
0x20: {  	[sflag:s8] =	ssyncset.s32 @!p0 $0xFFFFF086;
	s6 =	sadd.s32 @!p0 s3, s7;
	s7 =	simm.s32 @!p0 $0x108  }
0x21: {  	s3 =	sadd.s32 s3, s9;
	s6 =	sadd.s32 @!p0 $0x88, s6;
	s7 =	simm.s32 @p2 $0x1082  }
0x22: {  	[simem:s7], [sflag:s8] =	dma.local @!p0 [hbm:s6], $0xF7A  }
0x23: {  	s9 =	sor.u32 $0xD0000000, s2;
	s6 =	simm.s32 $0x108;
	_ =	swait.ge @!p0 [sflag:s8], $0x0  }
0x24: {  	s3 =	sadd.s32 $0x88, s3;
	s6 =	simm.s32 @!p1 $0x1082;
	[sflag:s4] =	ssyncset.s32 $0xFFFFF086  }
0x25: {  	[simem:s6], [sflag:s4] =	dma.local [hbm:s3], $0xF7A  }
0x26: {  	[smem:$0x3F90] =	sst s1;
	(tag) =	ssettag s2;
	_ =	strace s9  }
0x27: {  	s1 =	sld [smem:$0x3FA0]  }
0x28: {  	s2 =	sld [smem:$0x3FA1]  }
0x29: {  	s4 =	sld [smem:$0x3FA3]  }
0x2a: {  	p0 =	seq.s32 s5, $0x0;
	s5 =	sld [smem:$0x3FA4]  }
0x2b: {  	s6 =	sld [smem:$0x3FA5]  }
0x2c: {  	s7 =	sld [smem:$0x3FA6]  }
0x2d: {  	s3 =	simm.s32 $0x108;
	s8 =	sld [smem:$0x3FA7]  }
0x2e: {  	s3 =	simm.s32 @!p0 $0x1082;
	s9 =	sld [smem:$0x3FA8]  }
0x2f: {  	lr =	sadd.s32 s0, s3;
	s0 =	sld [smem:$0x3F9F]  }
0x30: {  	s3 =	sld [smem:$0x3FA2]  }
0x31: {  	[smem:$0x3FAB] =	sst s10  }
0x32: {  	s10 =	sld [smem:$0x3FA9];
	_ =	sdelay $0x3  }
0x33: {  	p0 =	seq.s32 s10, $0x1;
	s10 =	sld [smem:$0x3FAB];
	_ =	sdelay $0x3  }
0x34: {  	[smem:$0x3FAB] =	sst s10  }
0x35: {  	s10 =	sld [smem:$0x3FAA];
	_ =	sdelay $0x3  }
0x36: {  	p1 =	seq.s32 s10, $0x1;
	s10 =	sld [smem:$0x3FAB];
	_ =	sdelay $0x3  }
0x37: {  	[smem:$0x3FAB] =	sst s10  }
0x38: {  	s10 =	sld [smem:$0x3FAC]  }
0x39: {  	_ = 	snop;
	(pc) =	sbr.ind lr, $3  }
0x3a: {  	_ = 	snop  }
0x3b: {  	_ = 	snop  }
0x3c: {  	p2 =	seq.s32 s10, $0x1;
	s10 =	sld [smem:$0x3FAB]  }
0x3d: {  	_ =	shalt  }
0x3e: {  	_ =	shalt  }
0x3f: {  	_ =	shalt  }
0x40: {  	_ =	shalt  }
0x41: {  	_ =	shalt  }
0x42: {  	_ =	shalt  }
0x43: {  	_ =	shalt  }
0x44: {  	_ =	shalt  }
0x45: {  	_ =	shalt  }
0x46: {  	_ =	shalt  }
0x47: {  	_ =	shalt  }
0x48: {  	_ =	shalt  }
0x49: {  	_ =	shalt  }
0x4a: {  	_ =	shalt  }
0x4b: {  	_ =	shalt  }
0x4c: {  	_ =	shalt  }
0x4d: {  	_ =	shalt  }
0x4e: {  	_ =	shalt  }
0x4f: {  	_ =	shalt  }
0x50: {  	_ =	shalt  }
0x51: {  	_ =	shalt  }
0x52: {  	_ =	shalt  }
0x53: {  	_ =	shalt  }
0x54: {  	_ =	shalt  }
0x55: {  	_ =	shalt  }
0x56: {  	_ =	shalt  }
0x57: {  	_ =	shalt  }
0x58: {  	_ =	shalt  }
0x59: {  	_ =	shalt  }
0x5a: {  	_ =	shalt  }
0x5b: {  	_ =	shalt  }
0x5c: {  	_ =	shalt  }
0x5d: {  	_ =	shalt  }
0x5e: {  	_ =	shalt  }
0x5f: {  	_ =	shalt  }
0x60: {  	_ =	shalt  }
0x61: {  	_ =	shalt  }
0x62: {  	_ =	shalt  }
0x63: {  	_ =	shalt  }
0x64: {  	_ =	shalt  }
0x65: {  	_ =	shalt  }
0x66: {  	_ =	shalt  }
0x67: {  	_ =	shalt  }
0x68: {  	_ =	shalt  }
0x69: {  	_ =	shalt  }
0x6a: {  	_ =	shalt  }
0x6b: {  	_ =	shalt  }
0x6c: {  	_ =	shalt  }
0x6d: {  	_ =	shalt  }
0x6e: {  	_ =	shalt  }
0x6f: {  	_ =	shalt  }
0x70: {  	_ =	shalt  }
0x71: {  	_ =	shalt  }
0x72: {  	_ =	shalt  }
0x73: {  	_ =	shalt  }
0x74: {  	_ =	shalt  }
0x75: {  	_ =	shalt  }
0x76: {  	_ =	shalt  }
0x77: {  	_ =	shalt  }
0x78: {  	_ =	shalt  }
0x79: {  	_ =	shalt  }
0x7a: {  	_ =	shalt  }
0x7b: {  	_ =	shalt  }
0x7c: {  	_ =	shalt  }
0x7d: {  	_ =	shalt  }
0x7e: {  	_ =	shalt  }
0x7f: {  	_ =	shalt  }
0x80: {  	_ =	shalt  }
0x81: {  	_ =	shalt  }
0x82: {  	_ =	shalt  }
0x83: {  	_ =	shalt  }
0x84: {  	_ =	shalt  }
0x85: {  	_ =	shalt  }
0x86: {  	_ =	shalt  }
0x87: {  	_ =	shalt  }
.Lfunc_end0:
.L_simem_size_0:
called_computation_lowered:
.L_overlay_start_0:
0x88: {  	s2 =	sld [smem:$0x3FD9]  }
0x89: {  	s3 =	sld [smem:$0x3FFE];
	_ =	sdelay $0x1  }
0x8a: {  	s1 =	srdreg.scid  }
0x8b: {  	s0 =	sand.u32 $0x1, s1  }
0x8c: {  	s16 =	sshll.u32 s0, $0xA;
	s2 =	sadd.s32 s3, s2  }
0x8d: {  	s2 =	sadd.s32 s2, s16  }
0x8e: {  	[smem:$0x3FB7] =	sst s2  }
0x8f: {  	_ = 	snop  }
0x90: {  	(tm) =	ssettm $0x1  }
0x91: {  	s17 =	sld [smem:$0x3FFB];
	_ =	sdelay $0x3  }
0x92: {  	_ =	strace s17  }
0x93: {  	s2 =	sld [smem:$0x3FFC];
	_ =	sdelay $0x3  }
0x94: {  	_ =	strace s2  }
0x95: {  	s2 =	sld [smem:$0x3FFD];
	_ =	sdelay $0x3  }
0x96: {  	_ =	strace s2  }
0x97: {  	_ =	strace $0x8FFFFFFF  }
0x98: {  	s18 =	sld [smem:$0x3FDB];
	_ =	sdelay $0x1  }
0x99: {  	s19 =	simm.s32 $_scs_section_size  }
0x9a: {  	s4 =	simm.s32 $_size__tile_overlayer_lowered;
	s5 =	simm.s32 $_tile_overlayer_lowered  }
0x9b: {  	s22 =	simm.s32 $0x1BFF;
	s21 =	sshll.u32 s5, $0x1;
	s2 =	sadd.s32 s19, s18  }
0x9c: {  	s6 =	simm.s32 $0x0;
	s20 =	sshll.u32 s4, $0x1;
	s4 =	sadd.s32 s21, s2  }
0x9d: {  	[timem:s6], [sflag:s22] =	dma.local [hbm:s4], s20  }
0x9e: {  	_ =	swait.ge [sflag:s22], s20  }
0x9f: {  	s3 =	ssub.s32 $0x0, s20;
	[sflag:s22] =	ssyncset.done $0x0  }
0xa0: {  	[sflag:s22] =	ssyncadd.s32 s3;
	_ =	sdelay $0x1  }
0xa1: {  	s23 =	simm.s32 $0x1B8B  }
0xa2: {  	_ =	swait.ge [sflag:s23], $0x1  }
0xa3: {  	[sflag:s23] =	ssyncset.done $0x0  }
0xa4: {  	s25 =	simm.s32 $0x1B8E;
	s24 =	sld [smem:$0x3FFE];
	[sflag:s23] =	ssyncadd.s32 $0xFFFFFFFF  }
0xa5: {  	s26 =	simm.s32 $execute0_lowered;
	[smem:$0x3FD2] =	sst s25  }
0xa6: {  	s4 =	sshll.u32 s26, $0x1;
	_ =	strace $0x80000046;
	[dreg:$0x1] =	wrdreg $0xFFFFFFFF  }
0xa7: {  	s28 =	simm.s32 $_size_execute0_lowered;
	s2 =	sadd.s32 s2, s4;
	[dreg:$0x0] =	wrdreg $0x0  }
0xa8: {  	s4 =	sshll.u32 s28, $0x1;
	[dreg:$0x2] =	wrdreg s2  }
0xa9: {  	[dreg:$0x3] =	wrdreg s4  }
0xaa: {  	[dreg:$0x4] =	wrdreg $0xC0  }
0xab: {  	_ =	task [dreg:s6], $0x5FFFF  }
0xac: {  	[dreg:$0x1] =	wrdreg $0xFFFFFFFF  }
0xad: {  	[dreg:$0x0] =	wrdreg $0x60  }
0xae: {  	[dreg:$0x2] =	wrdreg s24  }
0xaf: {  	[dreg:$0x3] =	wrdreg $0x84000  }
0xb0: {  	[dreg:$0x4] =	wrdreg $0x9  }
0xb1: {  	_ =	task.clear_ibuf [dreg:s6], $0x5FFFF;
	_ =	strace $0x90000046  }
0xb2: {  	s29 =	simm.s32 $0x9;
	_ =	strace $0x80000048  }
0xb3: {  	_ =	swait.ge [sflag:s29], $0x1  }
0xb4: {  	[sflag:s29] =	ssyncadd.s32 $0xFFFFFFFF  }
0xb5: {  	_ =	strace $0x90000048  }
0xb6: {  	_ =	sfence  }
0xb7: {  	s30 =	sld [smem:$0x0];
	_ =	sdelay $0x2  }
0xb8: {  	s31 =	sshll.u32 s1, $0xD;
	s1 =	sshrl.u32 s1, $0x2  }
0xb9: {  	s3 =	sand.u32 $0x4000, s31;
	s1 =	sadd.s32 s1, s30  }
0xba: {  	s0 =	sor.u32 s3, s0;
	s1 =	sshll.u32 s1, $0x11  }
0xbb: {  	s0 =	sor.u32 s1, s0  }
0xbc: {  	s0 =	sadd.s32 $0x8F2B, s0  }
0xbd: {  	[sflag:s0] =	ssyncadd.remote.s32 $0x1  }
0xbe: {  	_ =	sfence.sel $0xFFFF  }
0xbf: {  	[dreg:$0x0] =	wrdreg $0xFFFFFFFF;
	(pc) =	sbr.abs _section_cstart, $3  }
0xc0: {  	[dreg:$0x1] =	wrdreg $0xFFFFFFFF  }
0xc1: {  	_ =	task.clear_ibuf [dreg:s6], $0x2FFFF;
	_ =	strace $0x9FFFFFFF  }
0xc2: {  	(tm) =	ssettm $0x7FFFFFFF  }
0xc3: {  	_ =	shalt  }
tec
execute0_lowered:
.L_overlay_start_1:
0x0: {  	(tag) =	ssettag $0x1  }
0x1: {  	s0 =	rddreg [dreg:$0x0]  }
0x2: {  	s1 =	rddreg [dreg:$0x1];
	s3 =	simm.s32 $0x0  }
0x3: {  	s2 =	srdreg.scid;
	s17 =	stileid.u32;
	s28 =	simm.s32 $0x200  }
0x4: {  	s29 =	simm.s32 $0x2;
	s30 =	simm.s32 $0x3;
	s31 =	simm.s32 $0x7  }
0x5: {  	[smem:$0x7FF] =	sst s3;
	s4 =	sadd.s32 $0x7A000, s0;
	s5 =	smul.u32 $0x4E000, s17  }
0x6: {  	s2 =	sand.u32 $0x1, s2;
	s7 =	sadd.s32 $0x116400, s0;
	s11 =	smul.u32 $0x270, s17  }
0x7: {  	s9 =	sadd.s32 $0x3E00, s0;
	s0 =	sadd.s32 $0x164600, s0;
	s13 =	smul.u32 $0xA000, s17  }
0x8: {  	s14 =	sshll.u32 s17, $0x6;
	s19 =	sadd.s32 $0x138000, s1;
	s8 =	smul.u32 $0x2710, s2  }
0x9: {  	p0 =	sne.s32 s17, $0xF;
	s6 =	ssub.s32 $0x2, s2;
	s26 =	smul.u32 $0xA0000, s2  }
0xa: {  	_ =	strace $0x80000047;
	s2 =	smul.u32 $0x138800, s2;
	s10 =	sshrl.u32 s6, $0x1  }
0xb: {  	s19 =	sshrl.u32 @!p0 s19, $0x3;
	s5 =	sshrl.u32 s5, $0x2;
	s10 =	ssub.s32 s6, s10  }
0xc: {  	s8 =	sadd.s32 s11, s8;
	s5 =	sadd.s32 s5, s1;
	s11 =	sadd.s32 s13, s26  }
0xd: {  	s6 =	sor.u32 $0x1C09, s14;
	s2 =	sshrl.u32 s2, $0x3;
	s8 =	sshll.u32 s8, $0x4  }
0xe: {  	s15 =	sshrl.u32 s11, $0x3;
	s2 =	sadd.s32 $0x27000, s2;
	s18 =	sor.u32 $0x500, s11  }
0xf: {  	s21 =	smax.u32 s10, $0x1;
	s22 =	sor.u32 $0x400, s11;
	s23 =	sor.u32 $0x300, s11  }
0x10: {  	s24 =	sor.u32 $0x200, s11;
	s17 =	sshrl.u32 s5, $0x3;
	s5 =	simm.s32 $0x4  }
0x11: {  	s10 =	simm.s32 $0x380;
	s12 =	sadd.s32 s7, s8;
	s7 =	sadd.s32 s7, s2  }
0x12: {  	s8 =	sadd.s32 s0, s8;
	s0 =	sadd.s32 s0, s2;
	s20 =	sshrl.u32 s18, $0x3  }
0x13: {  	[dreg:$0x9] =	wrdreg s21;
	s25 =	sshrl.u32 s23, $0x3;
	s26 =	sshrl.u32 s24, $0x3  }
0x14: {  	s18 =	simm.s32 $0x9;
	s21 =	simm.s32 $0x5;
	[dreg:$0x3] =	wrdreg s12  }
0x15: {  	s23 =	simm.s32 $0x400;
	s24 =	simm.s32 $0x1;
	[dreg:$0x5] =	wrdreg s7  }
0x16: {  	s2 =	simm.s32 $0x300;
	s12 =	sadd.s32 s9, s15;
	[dreg:$0x7] =	wrdreg s8  }
0x17: {  	[dreg:$0x8] =	wrdreg s0;
	s13 =	sadd.s32 s20, s9;
	s0 =	sshrl.u32 s22, $0x3  }
.Ltmp0:
0x18: {  	s15 =	sadd.s32 s25, s9;
	s20 =	simm.s32 $0x100;
	(pc) =	sbr.rel .LBB2_1-.Ltmp0, $4  }
0x19: {  	s22 =	simm.s32 $0x80;
	s25 =	simm.s32 $0x6;
	s8 =	simm.s32 $0x8  }
0x1a: {  	s7 =	simm.s32 $0x0;
	[dreg:$0x4] =	wrdreg s12;
	s16 =	sadd.s32 $0x20, s12  }
0x1b: {  	s14 =	sadd.s32 s0, s9;
	s0 =	simm.s32 $0x180;
	[dreg:$0x6] =	wrdreg s16  }
0x1c: {  	s16 =	sadd.s32 s26, s9;
	s26 =	simm.s32 $0x4400;
	s9 =	simm.s32 $0x280  }
.LBB2_4:
0x1d: {  	_ =	swait.ge [sflag:s29], $0x4000  }
0x1e: {  	[sflag:s29] =	ssyncset.done $0x0  }
0x1f: {  	[sflag:s29] =	ssyncadd.s32 $0xFFFFC000  }
0x20: {  	_ =	swait.ge [sflag:s30], $0x4000  }
0x21: {  	[sflag:s30] =	ssyncset.done $0x0  }
0x22: {  	[sflag:s30] =	ssyncadd.s32 $0xFFFFC000  }
0x23: {  	[spmem:s1] =	stream.indirect.scatter.add.f32 [tilespmem:s26], [sflag:$0x4], $0x80, s10, s22, $0xb8;
	[tilespmem:$0x1BCC0] =	vst v63  }
0x24: {  	_ =	swait.ge [sflag:s5], $0x4000  }
0x25: {  	[sflag:s5] =	ssyncset.done $0x0  }
0x26: {  	[sflag:s5] =	ssyncadd.s32 $0xFFFFC000  }
0x27: {  	[bflag:$0x0] =	sbarrier.arrive $0xFFFF  }
0x28: {  	s11 =	rddreg [dreg:$0x7]  }
0x29: {  	[hbm:s11], [sflag:s6] =	dma.local [spmem:s17], $0x2700  }
0x2a: {  	_ =	swait.ge [sflag:s18], $0x2700  }
0x2b: {  	[sflag:s18] =	ssyncset.done $0x0  }
0x2c: {  	s11 =	rddreg [dreg:$0x8];
	[sflag:s18] =	ssyncadd.s32 $0xFFFFD900  }
0x2d: {  	[hbm:s11], [sflag:s6] =	dma.local @!p0 [spmem:s19], $0x100  }
0x2e: {  	s11 =	simm.s32 @!p0 $0x9  }
0x2f: {  	_ =	swait.ge @!p0 [sflag:s11], $0x100  }
0x30: {  	s7 =	sadd.s32 $0x1, s7;
	s12 =	rddreg [dreg:$0x9]  }
0x31: {  	p1 =	sne.s32 s7, s12  }
.Ltmp1:
0x32: {  	_ = 	snop;
	(pc) =	sbr.rel @!p1 .LBB2_5-.Ltmp1, $3  }
0x33: {  	_ =	sdelay $0x1  }
0x34: {  	[sflag:s11] =	ssyncset.done @!p0 $0x0  }
0x35: {  	[sflag:s11] =	ssyncadd.s32 @!p0 $0xFFFFFF00  }
.LBB2_1:
0x36: {  	s11 =	rddreg [dreg:$0x3]  }
0x37: {  	[spmem:s17], [sflag:s6] =	dma.local [hbm:s11], $0x2700  }
0x38: {  	_ =	swait.ge [sflag:s18], $0x2700  }
0x39: {  	[sflag:s18] =	ssyncset.done $0x0  }
0x3a: {  	s11 =	rddreg [dreg:$0x5];
	[sflag:s18] =	ssyncadd.s32 $0xFFFFD900  }
0x3b: {  	[spmem:s19], [sflag:s6] =	dma.local @!p0 [hbm:s11], $0x100  }
0x3c: {  	s11 =	simm.s32 @!p0 $0x9  }
0x3d: {  	_ =	swait.ge @!p0 [sflag:s11], $0x100  }
0x3e: {  	[sflag:s11] =	ssyncset.done @!p0 $0x0  }
0x3f: {  	[sflag:s11] =	ssyncadd.s32 @!p0 $0xFFFFFF00  }
0x40: {  	[bflag:$0x0] =	sbarrier.arrive $0xFFFF  }
0x41: {  	s12 =	rddreg [dreg:$0x4]  }
0x42: {  	[tilespmem:s3], [sflag:$0x5] =	stream.linear.gather [hbm4b:s12+s3], $0x100, $0x38;
	[tilespmem:$0x1BCC0] =	vst v63  }
0x43: {  	s12 =	rddreg [dreg:$0x6]  }
0x44: {  	[tilespmem:s20], [sflag:$0x6] =	stream.linear.gather [hbm4b:s12+s3], $0x100, $0x38;
	[tilespmem:$0x1BCC0] =	vst v63  }
0x45: {  	_ =	swait.ge [sflag:s21], $0x100  }
0x46: {  	[sflag:s21] =	ssyncset.done $0x0  }
0x47: {  	s11 =	simm.s32 $0x0;
	[sflag:s21] =	ssyncadd.s32 $0xFFFFFF00  }
0x48: {  	[tilespmem:s23], [sflag:$0x1] =	stream.indirect.gather [hbm4b:s4+s22], $0x80, s3, s22, $0xb8;
	[tilespmem:$0x1BCC0] =	vst v63  }
.LBB2_2:
0x49: {  	_ =	swait.ge [sflag:s24], $0x4000  }
0x4a: {  	p1 =	seq.s32 s11, $0x0;
	[sflag:s24] =	ssyncset.done $0x0  }
0x4b: {  	s12 =	simm.s32 @!p1 $0x4;
	[sflag:s24] =	ssyncadd.s32 $0xFFFFC000  }
0x4c: {  	_ =	swait.ge @!p1 [sflag:s12], $0x4000  }
0x4d: {  	[sflag:s12] =	ssyncset.done @!p1 $0x0  }
0x4e: {  	[sflag:s12] =	ssyncadd.s32 @!p1 $0xFFFFC000  }
0x4f: {  	_ =	swait.ge [sflag:s25], $0x100  }
0x50: {  	[sflag:s25] =	ssyncset.done $0x0  }
0x51: {  	[sflag:s25] =	ssyncadd.s32 $0xFFFFFF00  }
0x52: {  	[tilespmem:s26], [sflag:$0x2] =	stream.indirect.gather [hbm4b:s4+s22], $0x80, s20, s22, $0xb8;
	[tilespmem:$0x1BCC0] =	vst v63  }
0x53: {  	_ = 	snop  }
0x54: {  	[spmem:s1] =	stream.indirect.scatter.add.f32 [tilespmem:s23], [sflag:$0x3], $0x80, s22, s22, $0xb8;
	[tilespmem:$0x1BCC0] =	vst v63  }
0x55: {  	s12 =	sadd.s32 s11, s16  }
0x56: {  	[tilespmem:s28], [sflag:$0x7] =	stream.linear.gather [hbm4b:s12+s3], $0x100, $0x38;
	[tilespmem:$0x1BCC0] =	vst v63  }
0x57: {  	_ =	swait.ge [sflag:s29], $0x4000  }
0x58: {  	[sflag:s29] =	ssyncset.done $0x0  }
0x59: {  	[sflag:s29] =	ssyncadd.s32 $0xFFFFC000  }
0x5a: {  	_ =	swait.ge [sflag:s30], $0x4000  }
0x5b: {  	[sflag:s30] =	ssyncset.done $0x0  }
0x5c: {  	[sflag:s30] =	ssyncadd.s32 $0xFFFFC000  }
0x5d: {  	_ =	swait.ge [sflag:s31], $0x100  }
0x5e: {  	[sflag:s31] =	ssyncset.done $0x0  }
0x5f: {  	[sflag:s31] =	ssyncadd.s32 $0xFFFFFF00  }
0x60: {  	[tilespmem:s23], [sflag:$0x1] =	stream.indirect.gather [hbm4b:s4+s22], $0x80, s28, s22, $0xb8;
	[tilespmem:$0x1BCC0] =	vst v63  }
0x61: {  	_ = 	snop  }
0x62: {  	[spmem:s1] =	stream.indirect.scatter.add.f32 [tilespmem:s26], [sflag:$0x4], $0x80, s0, s22, $0xb8;
	[tilespmem:$0x1BCC0] =	vst v63  }
0x63: {  	s12 =	sadd.s32 s11, s15  }
0x64: {  	[tilespmem:s2], [sflag:$0x8] =	stream.linear.gather [hbm4b:s12+s3], $0x100, $0x38;
	[tilespmem:$0x1BCC0] =	vst v63  }
0x65: {  	_ =	swait.ge [sflag:s24], $0x4000  }
0x66: {  	[sflag:s24] =	ssyncset.done $0x0  }
0x67: {  	[sflag:s24] =	ssyncadd.s32 $0xFFFFC000  }
0x68: {  	_ =	swait.ge [sflag:s5], $0x4000  }
0x69: {  	[sflag:s5] =	ssyncset.done $0x0  }
0x6a: {  	[sflag:s5] =	ssyncadd.s32 $0xFFFFC000  }
0x6b: {  	p1 =	seq.s32 s11, $0x1380;
	_ =	swait.ge [sflag:s8], $0x100  }
.Ltmp2:
0x6c: {  	[sflag:s8] =	ssyncset.done $0x0;
	(pc) =	sbr.rel @p1 .LBB2_4-.Ltmp2, $4  }
0x6d: {  	[sflag:s8] =	ssyncadd.s32 $0xFFFFFF00  }
0x6e: {  	[tilespmem:s26], [sflag:$0x2] =	stream.indirect.gather [hbm4b:s4+s22], $0x80, s2, s22, $0xb8;
	[tilespmem:$0x1BCC0] =	vst v63  }
0x6f: {  	_ = 	snop  }
0x70: {  	[spmem:s1] =	stream.indirect.scatter.add.f32 [tilespmem:s23], [sflag:$0x3], $0x80, s9, s22, $0xb8;
	[tilespmem:$0x1BCC0] =	vst v63  }
0x71: {  	s12 =	sadd.s32 s11, s14  }
0x72: {  	[tilespmem:s3], [sflag:$0x5] =	stream.linear.gather [hbm4b:s12+s3], $0x100, $0x38;
	[tilespmem:$0x1BCC0] =	vst v63  }
0x73: {  	_ =	swait.ge [sflag:s29], $0x4000  }
0x74: {  	[sflag:s29] =	ssyncset.done $0x0  }
0x75: {  	[sflag:s29] =	ssyncadd.s32 $0xFFFFC000  }
0x76: {  	_ =	swait.ge [sflag:s30], $0x4000  }
0x77: {  	[sflag:s30] =	ssyncset.done $0x0  }
0x78: {  	[sflag:s30] =	ssyncadd.s32 $0xFFFFC000  }
0x79: {  	_ =	swait.ge [sflag:s21], $0x100  }
0x7a: {  	[sflag:s21] =	ssyncset.done $0x0  }
0x7b: {  	[sflag:s21] =	ssyncadd.s32 $0xFFFFFF00  }
0x7c: {  	[tilespmem:s23], [sflag:$0x1] =	stream.indirect.gather [hbm4b:s4+s22], $0x80, s3, s22, $0xb8;
	[tilespmem:$0x1BCC0] =	vst v63  }
.Ltmp3:
0x7d: {  	_ = 	snop;
	(pc) =	sbr.rel .LBB2_2-.Ltmp3, $4  }
0x7e: {  	_ = 	snop  }
0x7f: {  	[spmem:s1] =	stream.indirect.scatter.add.f32 [tilespmem:s26], [sflag:$0x4], $0x80, s10, s22, $0xb8;
	[tilespmem:$0x1BCC0] =	vst v63  }
0x80: {  	s12 =	sadd.s32 s11, s13;
	s11 =	sadd.s32 $0x80, s11  }
0x81: {  	[tilespmem:s20], [sflag:$0x6] =	stream.linear.gather [hbm4b:s12+s3], $0x100, $0x38;
	[tilespmem:$0x1BCC0] =	vst v63  }
.LBB2_5:
0x82: {  	_ =	sfence.sel $0x180000  }
0x83: {  	[bflag:$0x0] =	sbarrier.arrive $0xFFFF  }
0x84: {  	_ =	strace $0x90000047  }
0x85: {  	s0 =	stileid.u32;
	[bflag:$0x2] =	sbarrier.arrive $0xFFFF  }
0x86: {  	p0 =	sne.s32 s0, $0x0;
	s0 =	rddreg [dreg:$0x2]  }
0x87: {  	s0 =	sadd.s32 @!p0 $0x100000, s0  }
0x88: {  	[sflag:s0] =	ssyncadd.tile.s32 @!p0 $0x1;
	_ =	shalt  }
.Lfunc_end2:
_tile_overlayer_lowered:
.L_overlay_start_2:
0x89: {  	(tag) =	ssettag $0x2  }
0x8a: {  	s0 =	rddreg [dreg:$0x0];
	s2 =	stileid.u32  }
0x8b: {  	s1 =	rddreg [dreg:$0x1];
	p0 =	sne.s32 s2, $0x0  }
0x8c: {  	s3 =	rddreg [dreg:$0x2];
	[bflag:$0x3] =	sbarrier.arrive $0xFFFF;
	s2 =	simm.s32 @!p0 $0x1C09  }
0x8d: {  	[timem:s3], [sflag:s2] =	dma.local @!p0 [hbm:s0], s1  }
0x8e: {  	s0 =	simm.s32 @!p0 $0x9  }
0x8f: {  	_ =	swait.ge @!p0 [sflag:s0], s1  }
0x90: {  	s1 =	ssub.s32 @!p0 $0x0, s1;
	[sflag:s0] =	ssyncset.done @!p0 $0x0  }
0x91: {  	[sflag:s0] =	ssyncadd.s32 @!p0 s1  }
0x92: {  	[bflag:$0x3] =	sbarrier.arrive $0xFFFF  }
0x93: {  	_ =	shalt  }

</sc_bundles>
